<compile_context>
chip_gen: v7x
topology: tpu7x:2x2x1
jax: 0.10.2.dev20260603
libtpu: 0.0.44.dev20260713+nightly
codegen_flags: <defaults>
</compile_context>

<pallas_src>
import functools

import jax
import jax.numpy as jnp
from jax import lax
from jax.experimental import pallas as pl
from jax.experimental.pallas import tpu as pltpu
from jax.experimental.pallas import tpu_sc as plsc

_N = 10000
_E = 320000
_DF = 128
_HID = 64
_HEADS = 2
_OUT = 32

_NW = 32
_K = 48
_EPW = 10368
_NB = _EPW // _K
_EPAD = _NW * _EPW
_NROWS = 10112
_RPS = _NROWS // 16
_DROWS = 160


def _pre_body(xu_r, xi_r, Wu_r, bu_r, Wi_r, bi_r, Wl_r, bl_r, Wr_r, br_r,
              xl_o, xr_o):
    xu = jnp.dot(xu_r[...], Wu_r[...], preferred_element_type=jnp.float32)
    xu = xu + bu_r[...]
    xu = jnp.where(xu > 0, xu, jnp.exp(xu) - 1.0)
    xi = jnp.dot(xi_r[...], Wi_r[...], preferred_element_type=jnp.float32)
    xi = xi + bi_r[...]
    xi = jnp.where(xi > 0, xi, jnp.exp(xi) - 1.0)
    xl_o[...] = jnp.dot(xu, Wl_r[...], preferred_element_type=jnp.float32) + bl_r[...]
    xr_o[...] = jnp.dot(xi, Wr_r[...], preferred_element_type=jnp.float32) + br_r[...]


def _pre(x_user, x_item, W_user, b_user, W_item, b_item, Wl1, bl1, Wr1, br1):
    B = 1000
    grid = (_N // B,)
    full = lambda shape: pl.BlockSpec(shape, lambda i: (0,) * len(shape))
    return pl.pallas_call(
        _pre_body,
        grid=grid,
        in_specs=[
            pl.BlockSpec((B, _DF), lambda i: (i, 0)),
            pl.BlockSpec((B, _DF), lambda i: (i, 0)),
            full((_DF, _HID)), full((_HID,)),
            full((_DF, _HID)), full((_HID,)),
            full((_HID, _HEADS * _HID)), full((_HEADS * _HID,)),
            full((_HID, _HEADS * _HID)), full((_HEADS * _HID,)),
        ],
        out_specs=[
            pl.BlockSpec((B, _HEADS * _HID), lambda i: (i, 0)),
            pl.BlockSpec((B, _HEADS * _HID), lambda i: (i, 0)),
        ],
        out_shape=[
            jax.ShapeDtypeStruct((_N, _HEADS * _HID), jnp.float32),
            jax.ShapeDtypeStruct((_N, _HEADS * _HID), jnp.float32),
        ],
    )(x_user, x_item, W_user, b_user, W_item, b_item, Wl1, bl1, Wr1, br1)


def _sc_edge_pass(xl, xr, srcp, dstp, att_flat, zeros_num):
    mesh = plsc.VectorSubcoreMesh(core_axis_name="c", subcore_axis_name="s")

    @functools.partial(
        pl.kernel,
        mesh=mesh,
        out_type=[
            jax.ShapeDtypeStruct((2 * _NROWS, _DF), jnp.float32),
            jax.ShapeDtypeStruct((2, _DROWS, _DF), jnp.float32),
        ],
        scratch_types=[
            pltpu.VMEM_SHARED((_NROWS, _DF), jnp.float32),
            pltpu.VMEM_SHARED((_DROWS, _DF), jnp.float32),
            pltpu.VMEM((2, _K), jnp.int32),
            pltpu.VMEM((2, _K + 16), jnp.int32),
            pltpu.VMEM((2, _K, _DF), jnp.float32),
            pltpu.VMEM((2, _K, _DF), jnp.float32),
            pltpu.VMEM((_K, _DF), jnp.float32),
            pltpu.VMEM((_K, _DF), jnp.float32),
            pltpu.VMEM((_K,), jnp.int32),
            pltpu.VMEM((128,), jnp.float32),
            pltpu.SemaphoreType.DMA,
            pltpu.SemaphoreType.DMA,
            pltpu.SemaphoreType.DMA,
            pltpu.SemaphoreType.DMA,
        ],
    )
    def k(xl_h, xr_h, src_h, dst_h, att_h, znum_h, num_h, den_h,
          acc_sh, den_sh, sidx_v, didx_v, xlr_v, xrr_v, orow_v, orow2_v,
          didx2_v, att_v, gs0, gs1, gd0, gd1):
        c = lax.axis_index("c")
        s = lax.axis_index("s")
        wid = s * 2 + c
        gsem = [gs0, gs1]
        gdem = [gd0, gd1]

        pltpu.sync_copy(znum_h.at[pl.ds(s * _RPS, _RPS)],
                        acc_sh.at[pl.ds(s * _RPS, _RPS)])
        @pl.when(s == 0)
        def _():
            pltpu.sync_copy(znum_h.at[pl.ds(0, _DROWS)], den_sh)
        pltpu.sync_copy(att_h, att_v)
        plsc.subcore_barrier()

        att_c = [att_v[pl.ds(16 * t, 16)] for t in range(8)]
        lane = lax.iota(jnp.int32, 16)
        zero16 = jnp.zeros((16,), jnp.float32)
        perms = [lane ^ sh for sh in (8, 4, 2, 1)]
        dnums = lax.GatherDimensionNumbers(
            offset_dims=(), collapsed_slice_dims=(0,), start_index_map=(0,))

        def allsum(v):
            for p in perms:
                v = v + lax.gather(v, p[:, None], dnums, (1,),
                                   mode=lax.GatherScatterMode.PROMISE_IN_BOUNDS)
            return v

        def prefetch(b, slot):
            base = wid * _EPW + jnp.minimum(b, _NB - 1) * _K
            pltpu.sync_copy(src_h.at[pl.ds(base, _K)], sidx_v.at[slot])
            pltpu.sync_copy(dst_h.at[pl.ds(base, _K)],
                            didx_v.at[slot].at[pl.ds(0, _K)])
            pltpu.async_copy(xl_h.at[sidx_v.at[slot]], xlr_v.at[slot],
                             gsem[slot])
            pltpu.async_copy(xr_h.at[didx_v.at[slot].at[pl.ds(0, _K)]],
                             xrr_v.at[slot], gdem[slot])

        def work(g, slot):
            pltpu.make_async_copy(xl_h.at[sidx_v.at[slot]], xlr_v.at[slot],
                                  gsem[slot]).wait()
            pltpu.make_async_copy(xl_h.at[sidx_v.at[slot]], xrr_v.at[slot],
                                  gdem[slot]).wait()
            prefetch(g + 1, 1 - slot)

            def edge(j, _):
                xlc = [xlr_v[slot, j, pl.ds(16 * t, 16)] for t in range(8)]
                acc0 = zero16
                acc1 = zero16
                for t in range(8):
                    v = xlc[t] + xrr_v[slot, j, pl.ds(16 * t, 16)]
                    v = jnp.maximum(v, 0.2 * v)
                    if t < 4:
                        acc0 = acc0 + v * att_c[t]
                    else:
                        acc1 = acc1 + v * att_c[t]
                p0 = jnp.exp(allsum(acc0))
                p1 = jnp.exp(allsum(acc1))
                for t in range(4):
                    orow_v[j, pl.ds(16 * t, 16)] = xlc[t] * p0
                for t in range(4, 8):
                    orow_v[j, pl.ds(16 * t, 16)] = xlc[t] * p1
                col = (didx_v[slot, pl.ds(j, 16)][0] & 63) * 2
                ll = col & 15
                pv = jnp.where(lane == ll, p0,
                               jnp.where(lane == ll + 1, p1, zero16))
                for t in range(8):
                    orow2_v[j, pl.ds(16 * t, 16)] = zero16
                orow2_v[j, pl.ds((col >> 4) * 16, 16)] = pv
                return 0

            lax.fori_loop(0, _K, edge, 0)
            for g in range(_K // 16):
                didx2_v[pl.ds(g * 16, 16)] = (
                    didx_v[slot, pl.ds(g * 16, 16)] >> 6)
            pltpu.sync_copy(orow_v, acc_sh.at[didx_v.at[slot].at[pl.ds(0, _K)]],
                            add=True)
            pltpu.sync_copy(orow2_v, den_sh.at[didx2_v], add=True)

        prefetch(0, 0)

        def outer(i, _):
            work(2 * i, 0)
            work(2 * i + 1, 1)
            return 0

        lax.fori_loop(0, _NB // 2, outer, 0)
        pltpu.make_async_copy(xl_h.at[sidx_v.at[0]], xlr_v.at[0], gs0).wait()
        pltpu.make_async_copy(xl_h.at[sidx_v.at[0]], xrr_v.at[0], gd0).wait()
        plsc.subcore_barrier()
        @pl.when(s == 0)
        def _():
            pltpu.sync_copy(den_sh, den_h.at[c])
        pltpu.sync_copy(acc_sh.at[pl.ds(s * _RPS, _RPS)],
                        num_h.at[pl.ds(c * _NROWS + s * _RPS, _RPS)])

    return k(xl, xr, srcp, dstp, att_flat, zeros_num)


def _post_body(a1_r, a2_r, d1_r, d2_r, bias_r, Wo_r, bo_r, out_o):
    s = a1_r[...] + a2_r[...]
    d = d1_r[...] + d2_r[...]
    row = lax.broadcasted_iota(jnp.int32, (2, _DF), 0)
    col = lax.broadcasted_iota(jnp.int32, (2, _DF), 1)
    T = jnp.where((row == 0) == (col < _HID), 1.0, 0.0)
    DEN = jnp.dot(d, T, preferred_element_type=jnp.float32) + 1e-16
    xi = s / DEN + bias_r[...]
    xi = jnp.where(xi > 0, xi, jnp.exp(xi) - 1.0)
    out_o[...] = jnp.dot(xi, Wo_r[...], preferred_element_type=jnp.float32) + bo_r[...]


def _post(a1, a2, d1, d2, bias1, W_out, b_out):
    B = 1000
    grid = (_N // B,)
    full = lambda shape: pl.BlockSpec(shape, lambda i: (0,) * len(shape))
    return pl.pallas_call(
        _post_body,
        grid=grid,
        in_specs=[
            pl.BlockSpec((B, _DF), lambda i: (i, 0)),
            pl.BlockSpec((B, _DF), lambda i: (i, 0)),
            pl.BlockSpec((B, 2), lambda i: (i, 0)),
            pl.BlockSpec((B, 2), lambda i: (i, 0)),
            full((_HEADS * _HID,)),
            full((_HEADS * _HID, _OUT)), full((_OUT,)),
        ],
        out_specs=pl.BlockSpec((B, _OUT), lambda i: (i, 0)),
        out_shape=jax.ShapeDtypeStruct((_N, _OUT), jnp.float32),
    )(a1, a2, d1, d2, bias1, W_out, b_out)


def kernel(x_user, x_item, edge_index_u2i, edge_index_i2u,
           W_user, b_user, W_item, b_item,
           Wl1, bl1, Wr1, br1, att1, bias1,
           Wl2, bl2, Wr2, br2, att2, bias2,
           W_out, b_out):
    xl, xr = _pre(x_user, x_item, W_user, b_user, W_item, b_item,
                  Wl1, bl1, Wr1, br1)
    pad = jnp.zeros((_NROWS - _N, _HEADS * _HID), jnp.float32)
    xl_p = jnp.concatenate([xl, pad])
    xr_p = jnp.concatenate([xr, pad])

    npad = _EPAD - (_E + _N)
    srcp = jnp.concatenate([
        edge_index_u2i[0].astype(jnp.int32),
        jnp.arange(_N, dtype=jnp.int32),
        jnp.full((npad,), _N, jnp.int32),
    ])
    dstp = jnp.concatenate([
        edge_index_u2i[1].astype(jnp.int32),
        jnp.arange(_N, dtype=jnp.int32),
        jnp.full((npad,), _N, jnp.int32),
    ])
    zeros_num = jnp.zeros((_NROWS, _DF), jnp.float32)

    num, den = _sc_edge_pass(xl_p, xr_p, srcp, dstp, att1.reshape(-1),
                             zeros_num)
    a1 = num[:_N]
    a2 = num[_NROWS:_NROWS + _N]
    d1 = den[0].reshape(_DROWS * 64, 2)[:_N]
    d2 = den[1].reshape(_DROWS * 64, 2)[:_N]
    return _post(a1, a2, d1, d2, bias1, W_out, b_out)

# --- scband reference (transcript-rebuilt; emitter-appended) ---
"""Pipeline reference for scband-hetero-gatmodel-24739011625783 (READ-ONLY COPY).

The authoritative reference and input builder live on the scoring server;
editing this copy changes nothing except your own understanding.
"""

import jax, jax.numpy as jnp
import numpy as np

N = 10000
E = 320000
DF = 128
HID = 64
HEADS = 2
OUT = 32


def _glorot(key, shape):
    fan_in = shape[0]
    return jax.random.normal(key, shape, dtype=jnp.float32) * (1.0 / np.sqrt(fan_in))


def setup_inputs(seed: int = 0):
    key = jax.random.key(seed)
    ks = jax.random.split(key, 16)
    inp = {}
    inp['x_user'] = jax.random.normal(ks[0], (N, DF), dtype=jnp.float32)
    inp['x_item'] = jax.random.normal(ks[1], (N, DF), dtype=jnp.float32)
    inp['edge_index_u2i'] = jax.random.randint(ks[2], (2, E), 0, N)
    inp['edge_index_i2u'] = jax.random.randint(ks[3], (2, E), 0, N)
    # per-node-type input projections
    inp['W_user'] = _glorot(ks[4], (DF, HID)); inp['b_user'] = jnp.zeros((HID,), jnp.float32)
    inp['W_item'] = _glorot(ks[5], (DF, HID)); inp['b_item'] = jnp.zeros((HID,), jnp.float32)
    # GATv2Conv for ('user','to','item'): src dim HID, dst dim HID
    inp['Wl1'] = _glorot(ks[6], (HID, HEADS * HID)); inp['bl1'] = jnp.zeros((HEADS * HID,), jnp.float32)
    inp['Wr1'] = _glorot(ks[7], (HID, HEADS * HID)); inp['br1'] = jnp.zeros((HEADS * HID,), jnp.float32)
    inp['att1'] = _glorot(ks[8], (HEADS, HID))
    inp['bias1'] = jnp.zeros((HEADS * HID,), jnp.float32)
    # GATv2Conv for ('item','rev_to','user'): src dim HEADS*HID (updated item), dst dim HID
    inp['Wl2'] = _glorot(ks[9], (HEADS * HID, HEADS * HID)); inp['bl2'] = jnp.zeros((HEADS * HID,), jnp.float32)
    inp['Wr2'] = _glorot(ks[10], (HID, HEADS * HID)); inp['br2'] = jnp.zeros((HEADS * HID,), jnp.float32)
    inp['att2'] = _glorot(ks[11], (HEADS, HID))
    inp['bias2'] = jnp.zeros((HEADS * HID,), jnp.float32)
    # output head
    inp['W_out'] = _glorot(ks[12], (HEADS * HID, OUT)); inp['b_out'] = jnp.zeros((OUT,), jnp.float32)
    return inp


def _gatv2(x_src, x_dst, edge_index, Wl, bl, Wr, br, att, bias):
    # Faithful GATv2Conv (concat=True, negative_slope=0.2, add_self_loops=True, dropout=0 / eval)
    H, C = HEADS, HID
    xl = (x_src @ Wl + bl).reshape(-1, H, C)
    xr = (x_dst @ Wr + br).reshape(-1, H, C)
    n_dst = x_dst.shape[0]
    loop = jnp.arange(n_dst)
    src = jnp.concatenate([edge_index[0], loop])
    dst = jnp.concatenate([edge_index[1], loop])
    e = jax.nn.leaky_relu(xl[src] + xr[dst], negative_slope=0.2)  # [E+N, H, C]
    alpha = jnp.einsum('ehc,hc->eh', e, att)                      # [E+N, H]
    amax = jax.lax.stop_gradient(jax.ops.segment_max(alpha, dst, num_segments=n_dst))
    alpha = jnp.exp(alpha - amax[dst])
    denom = jax.ops.segment_sum(alpha, dst, num_segments=n_dst)
    alpha = alpha / (denom[dst] + 1e-16)
    out = jax.ops.segment_sum(xl[src] * alpha[:, :, None], dst, num_segments=n_dst)
    return out.reshape(n_dst, H * C) + bias


def reference(x_user, x_item, edge_index_u2i, edge_index_i2u,
              W_user, b_user, W_item, b_item,
              Wl1, bl1, Wr1, br1, att1, bias1,
              Wl2, bl2, Wr2, br2, att2, bias2,
              W_out, b_out):
    # per-type input lin + ELU (dropout_rate=0.0 / eval -> identity)
    xu = jax.nn.elu(x_user @ W_user + b_user)
    xi = jax.nn.elu(x_item @ W_item + b_item)
    # edge type ('user','to','item')
    xi = jax.nn.elu(_gatv2(xu, xi, edge_index_u2i, Wl1, bl1, Wr1, br1, att1, bias1))
    # edge type ('item','rev_to','user') uses the updated item features as src
    xu = jax.nn.elu(_gatv2(xi, xu, edge_index_i2u, Wl2, bl2, Wr2, br2, att2, bias2))
    # target node type is 'item'
    return xi @ W_out + b_out

if __name__ == "__main__":
    import jax
    _d = setup_inputs()
    print(jax.jit(kernel)(*tuple(_d.values())))

</pallas_src>

<mosaic_0001>
#map = affine_map<(d0, d1) -> (0, 0)>
#map1 = affine_map<(d0, d1) -> (0)>
#map2 = affine_map<(d0, d1) -> (0, 0, 0)>
module attributes {stable_mosaic.version = 14 : i64} {
  func.func @k(%arg0: i32, %arg1: i32, %arg2: memref<10112x128xf32, #tpu.memory_space<hbm>>, %arg3: memref<10112x128xf32, #tpu.memory_space<hbm>>, %arg4: memref<331776xi32, #tpu.memory_space<hbm>>, %arg5: memref<331776xi32, #tpu.memory_space<hbm>>, %arg6: memref<128xf32, #tpu.memory_space<hbm>>, %arg7: memref<10112x128xf32, #tpu.memory_space<hbm>>, %arg8: memref<20224x128xf32, #tpu.memory_space<hbm>>, %arg9: memref<2x160x128xf32, #tpu.memory_space<hbm>>, %arg10: memref<10112x128xf32, #tpu.memory_space<vmem_shared>>, %arg11: memref<160x128xf32, #tpu.memory_space<vmem_shared>>, %arg12: memref<2x48xi32, #tpu.memory_space<vmem>>, %arg13: memref<2x64xi32, #tpu.memory_space<vmem>>, %arg14: memref<2x48x128xf32, #tpu.memory_space<vmem>>, %arg15: memref<2x48x128xf32, #tpu.memory_space<vmem>>, %arg16: memref<48x128xf32, #tpu.memory_space<vmem>>, %arg17: memref<48x128xf32, #tpu.memory_space<vmem>>, %arg18: memref<48xi32, #tpu.memory_space<vmem>>, %arg19: memref<128xf32, #tpu.memory_space<vmem>>, %arg20: memref<!tpu.dma_semaphore, #tpu.memory_space<semaphore_mem>>, %arg21: memref<!tpu.dma_semaphore, #tpu.memory_space<semaphore_mem>>, %arg22: memref<!tpu.dma_semaphore, #tpu.memory_space<semaphore_mem>>, %arg23: memref<!tpu.dma_semaphore, #tpu.memory_space<semaphore_mem>>) attributes {dimension_semantics = [#tpu.dimension_semantics<core_parallel>, #tpu.dimension_semantics<subcore_parallel>], iteration_bounds = array<i64: 2, 16>, scalar_prefetch = 0 : i64, scratch_operands = 14 : i64, tpu.core_type = #tpu.core_type<sc_vector_subcore>, window_params = [{transform_indices = #map}, {transform_indices = #map}, {transform_indices = #map1}, {transform_indices = #map1}, {transform_indices = #map1}, {transform_indices = #map}, {transform_indices = #map}, {transform_indices = #map2}]} {
    %mul3A = arith.constant 2 : i32
    %mul3A_0 = arith.muli %arg1, %mul3A : i32
    %add3A = arith.addi %mul3A_0, %arg0 : i32
    %mul3A_1 = arith.constant 632 : i32
    %mul3A_2 = arith.muli %arg1, %mul3A_1 : i32
    %mul3A_3 = arith.constant 632 : i32
    %mul3A_4 = arith.muli %arg1, %mul3A_3 : i32
    "tpu.region"() ({
      %run_scoped3A_117 = tpu.sem_alloc : memref<!tpu.dma_semaphore, #tpu.memory_space<semaphore_mem>>
      %dma_start3A_118 = arith.constant 0 : i32
      %dma_start3A_119 = tpu.memref_slice %arg10[%mul3A_4, %dma_start3A_118] : memref<10112x128xf32, #tpu.memory_space<vmem_shared>> -> memref<632x128xf32, #tpu.memory_space<vmem_shared>>
      %dma_start3A_120 = arith.constant 0 : i32
      %dma_start3A_121 = tpu.memref_slice %arg7[%mul3A_2, %dma_start3A_120] : memref<10112x128xf32, #tpu.memory_space<hbm>> -> memref<632x128xf32, #tpu.memory_space<hbm>>
      tpu.enqueue_dma source(%dma_start3A_121 : memref<632x128xf32, #tpu.memory_space<hbm>>) target(%dma_start3A_119 : memref<632x128xf32, #tpu.memory_space<vmem_shared>>) target_semaphore(%run_scoped3A_117 : memref<!tpu.dma_semaphore, #tpu.memory_space<semaphore_mem>>)
      %dma_wait3A_122 = arith.constant 0 : i32
      %dma_wait3A_123 = tpu.memref_slice %arg10[%mul3A_4, %dma_wait3A_122] : memref<10112x128xf32, #tpu.memory_space<vmem_shared>> -> memref<632x128xf32, #tpu.memory_space<vmem_shared>>
      %dma_wait3A_124 = arith.constant 0 : i32
      %dma_wait3A_125 = tpu.memref_slice %arg7[%mul3A_2, %dma_wait3A_124] : memref<10112x128xf32, #tpu.memory_space<hbm>> -> memref<632x128xf32, #tpu.memory_space<hbm>>
      tpu.wait_dma2 semaphore(%run_scoped3A_117 : memref<!tpu.dma_semaphore, #tpu.memory_space<semaphore_mem>>) src(%dma_wait3A_125 : memref<632x128xf32, #tpu.memory_space<hbm>>) dst(%dma_wait3A_123 : memref<632x128xf32, #tpu.memory_space<vmem_shared>>)
      tpu.yield
    }) : () -> ()
    %eq3A = arith.constant 0 : i32
    %eq3A_5 = arith.cmpi eq, %arg1, %eq3A : i32
    %convert_element_type3A = arith.extui %eq3A_5 : i1 to i32
    %cond3A = arith.constant 0 : i32
    %cond3A_6 = arith.cmpi ne, %convert_element_type3A, %cond3A : i32
    scf.if %cond3A_6 {
      "tpu.region"() ({
        %run_scoped3A_117 = tpu.sem_alloc : memref<!tpu.dma_semaphore, #tpu.memory_space<semaphore_mem>>
        %dma_start3A_118 = arith.constant 0 : i32
        %dma_start3A_119 = arith.constant 0 : i32
        %dma_start3A_120 = tpu.memref_slice %arg7[%dma_start3A_118, %dma_start3A_119] : memref<10112x128xf32, #tpu.memory_space<hbm>> -> memref<160x128xf32, #tpu.memory_space<hbm>>
        tpu.enqueue_dma source(%dma_start3A_120 : memref<160x128xf32, #tpu.memory_space<hbm>>) target(%arg11 : memref<160x128xf32, #tpu.memory_space<vmem_shared>>) target_semaphore(%run_scoped3A_117 : memref<!tpu.dma_semaphore, #tpu.memory_space<semaphore_mem>>)
        %dma_wait3A_121 = arith.constant 0 : i32
        %dma_wait3A_122 = arith.constant 0 : i32
        %dma_wait3A_123 = tpu.memref_slice %arg7[%dma_wait3A_121, %dma_wait3A_122] : memref<10112x128xf32, #tpu.memory_space<hbm>> -> memref<160x128xf32, #tpu.memory_space<hbm>>
        tpu.wait_dma2 semaphore(%run_scoped3A_117 : memref<!tpu.dma_semaphore, #tpu.memory_space<semaphore_mem>>) src(%dma_wait3A_123 : memref<160x128xf32, #tpu.memory_space<hbm>>) dst(%arg11 : memref<160x128xf32, #tpu.memory_space<vmem_shared>>)
        tpu.yield
      }) : () -> ()
    } else {
    }
    "tpu.region"() ({
      %run_scoped3A_117 = tpu.sem_alloc : memref<!tpu.dma_semaphore, #tpu.memory_space<semaphore_mem>>
      tpu.enqueue_dma source(%arg6 : memref<128xf32, #tpu.memory_space<hbm>>) target(%arg19 : memref<128xf32, #tpu.memory_space<vmem>>) target_semaphore(%run_scoped3A_117 : memref<!tpu.dma_semaphore, #tpu.memory_space<semaphore_mem>>)
      tpu.wait_dma2 semaphore(%run_scoped3A_117 : memref<!tpu.dma_semaphore, #tpu.memory_space<semaphore_mem>>) src(%arg6 : memref<128xf32, #tpu.memory_space<hbm>>) dst(%arg19 : memref<128xf32, #tpu.memory_space<vmem>>)
      tpu.yield
    }) : () -> ()
    %barrier3A = arith.constant 0 : index
    tpu.barrier barrier_id(%barrier3A)
    %get3A = arith.constant 0 : index
    %get3A_7 = tpu.vector_load %arg19[%get3A] {strides = array<i32>} : memref<128xf32, #tpu.memory_space<vmem>>, vector<16xf32>,
    %get3A_8 = vector.shape_cast %get3A_7 : vector<16xf32> to vector<16xf32>
    %get3A_9 = arith.constant 16 : index
    %get3A_10 = tpu.vector_load %arg19[%get3A_9] {strides = array<i32>} : memref<128xf32, #tpu.memory_space<vmem>>, vector<16xf32>,
    %get3A_11 = vector.shape_cast %get3A_10 : vector<16xf32> to vector<16xf32>
    %get3A_12 = arith.constant 32 : index
    %get3A_13 = tpu.vector_load %arg19[%get3A_12] {strides = array<i32>} : memref<128xf32, #tpu.memory_space<vmem>>, vector<16xf32>,
    %get3A_14 = vector.shape_cast %get3A_13 : vector<16xf32> to vector<16xf32>
    %get3A_15 = arith.constant 48 : index
    %get3A_16 = tpu.vector_load %arg19[%get3A_15] {strides = array<i32>} : memref<128xf32, #tpu.memory_space<vmem>>, vector<16xf32>,
    %get3A_17 = vector.shape_cast %get3A_16 : vector<16xf32> to vector<16xf32>
    %get3A_18 = arith.constant 64 : index
    %get3A_19 = tpu.vector_load %arg19[%get3A_18] {strides = array<i32>} : memref<128xf32, #tpu.memory_space<vmem>>, vector<16xf32>,
    %get3A_20 = vector.shape_cast %get3A_19 : vector<16xf32> to vector<16xf32>
    %get3A_21 = arith.constant 80 : index
    %get3A_22 = tpu.vector_load %arg19[%get3A_21] {strides = array<i32>} : memref<128xf32, #tpu.memory_space<vmem>>, vector<16xf32>,
    %get3A_23 = vector.shape_cast %get3A_22 : vector<16xf32> to vector<16xf32>
    %get3A_24 = arith.constant 96 : index
    %get3A_25 = tpu.vector_load %arg19[%get3A_24] {strides = array<i32>} : memref<128xf32, #tpu.memory_space<vmem>>, vector<16xf32>,
    %get3A_26 = vector.shape_cast %get3A_25 : vector<16xf32> to vector<16xf32>
    %get3A_27 = arith.constant 112 : index
    %get3A_28 = tpu.vector_load %arg19[%get3A_27] {strides = array<i32>} : memref<128xf32, #tpu.memory_space<vmem>>, vector<16xf32>,
    %get3A_29 = vector.shape_cast %get3A_28 : vector<16xf32> to vector<16xf32>
    %iota3A = tpu.iota {dimensions = array<i32: 0>} : vector<16xi32>
    %broadcast_in_dim3A = arith.constant 0.000000e+00 : f32
    %broadcast_in_dim3A_30 = vector.broadcast %broadcast_in_dim3A : f32 to vector<16xf32>
    %xor3A = arith.constant 8 : i32
    %xor3A_31 = vector.broadcast %xor3A : i32 to vector<16xi32>
    %xor3A_32 = arith.xori %iota3A, %xor3A_31 : vector<16xi32>
    %xor3A_33 = arith.constant 4 : i32
    %xor3A_34 = vector.broadcast %xor3A_33 : i32 to vector<16xi32>
    %xor3A_35 = arith.xori %iota3A, %xor3A_34 : vector<16xi32>
    %xor3A_36 = arith.constant 2 : i32
    %xor3A_37 = vector.broadcast %xor3A_36 : i32 to vector<16xi32>
    %xor3A_38 = arith.xori %iota3A, %xor3A_37 : vector<16xi32>
    %xor3A_39 = arith.constant 1 : i32
    %xor3A_40 = vector.broadcast %xor3A_39 : i32 to vector<16xi32>
    %xor3A_41 = arith.xori %iota3A, %xor3A_40 : vector<16xi32>
    %mul3A_42 = arith.constant 10368 : i32
    %mul3A_43 = arith.muli %add3A, %mul3A_42 : i32
    %min3A = arith.constant 0 : i32
    %min3A_44 = arith.constant 215 : i32
    %min3A_45 = arith.minsi %min3A, %min3A_44 : i32
    %mul3A_46 = arith.constant 48 : i32
    %mul3A_47 = arith.muli %min3A_45, %mul3A_46 : i32
    %add3A_48 = arith.addi %mul3A_43, %mul3A_47 : i32
    %run_scoped3A = arith.constant 0 : i32
    "tpu.region"() ({
      %run_scoped3A_117 = tpu.sem_alloc : memref<!tpu.dma_semaphore, #tpu.memory_space<semaphore_mem>>
      %dma_start3A_118 = arith.constant 0 : i32
      %dma_start3A_119 = tpu.memref_slice %arg12[%run_scoped3A, %dma_start3A_118] : memref<2x48xi32, #tpu.memory_space<vmem>> -> memref<1x48xi32, #tpu.memory_space<vmem>>
      %dma_start3A_120 = tpu.memref_squeeze %dma_start3A_119 : memref<1x48xi32, #tpu.memory_space<vmem>> -> memref<48xi32, #tpu.memory_space<vmem>>
      %dma_start3A_121 = tpu.memref_slice %arg4[%add3A_48] : memref<331776xi32, #tpu.memory_space<hbm>> -> memref<48xi32, #tpu.memory_space<hbm>>
      %dma_start3A_122 = arith.constant 0 : i32
      %dma_start3A_123 = tpu.memref_slice %arg12[%run_scoped3A, %dma_start3A_122] : memref<2x48xi32, #tpu.memory_space<vmem>> -> memref<1x48xi32, #tpu.memory_space<vmem>>
      %dma_start3A_124 = tpu.memref_squeeze %dma_start3A_123 : memref<1x48xi32, #tpu.memory_space<vmem>> -> memref<48xi32, #tpu.memory_space<vmem>>
      %dma_start3A_125 = tpu.memref_slice %arg4[%add3A_48] : memref<331776xi32, #tpu.memory_space<hbm>> -> memref<48xi32, #tpu.memory_space<hbm>>
      tpu.enqueue_dma source(%dma_start3A_125 : memref<48xi32, #tpu.memory_space<hbm>>) target(%dma_start3A_124 : memref<48xi32, #tpu.memory_space<vmem>>) target_semaphore(%run_scoped3A_117 : memref<!tpu.dma_semaphore, #tpu.memory_space<semaphore_mem>>)
      %dma_wait3A_126 = arith.constant 0 : i32
      %dma_wait3A_127 = tpu.memref_slice %arg12[%run_scoped3A, %dma_wait3A_126] : memref<2x48xi32, #tpu.memory_space<vmem>> -> memref<1x48xi32, #tpu.memory_space<vmem>>
      %dma_wait3A_128 = tpu.memref_squeeze %dma_wait3A_127 : memref<1x48xi32, #tpu.memory_space<vmem>> -> memref<48xi32, #tpu.memory_space<vmem>>
      %dma_wait3A_129 = tpu.memref_slice %arg4[%add3A_48] : memref<331776xi32, #tpu.memory_space<hbm>> -> memref<48xi32, #tpu.memory_space<hbm>>
      %dma_wait3A_130 = arith.constant 0 : i32
      %dma_wait3A_131 = tpu.memref_slice %arg12[%run_scoped3A, %dma_wait3A_130] : memref<2x48xi32, #tpu.memory_space<vmem>> -> memref<1x48xi32, #tpu.memory_space<vmem>>
      %dma_wait3A_132 = tpu.memref_squeeze %dma_wait3A_131 : memref<1x48xi32, #tpu.memory_space<vmem>> -> memref<48xi32, #tpu.memory_space<vmem>>
      %dma_wait3A_133 = tpu.memref_slice %arg4[%add3A_48] : memref<331776xi32, #tpu.memory_space<hbm>> -> memref<48xi32, #tpu.memory_space<hbm>>
      tpu.wait_dma2 semaphore(%run_scoped3A_117 : memref<!tpu.dma_semaphore, #tpu.memory_space<semaphore_mem>>) src(%dma_wait3A_133 : memref<48xi32, #tpu.memory_space<hbm>>) dst(%dma_wait3A_132 : memref<48xi32, #tpu.memory_space<vmem>>)
      tpu.yield
    }) : () -> ()
    %run_scoped3A_49 = arith.constant 0 : i32
    "tpu.region"() ({
      %run_scoped3A_117 = tpu.sem_alloc : memref<!tpu.dma_semaphore, #tpu.memory_space<semaphore_mem>>
      %dma_start3A_118 = arith.constant 0 : i32
      %dma_start3A_119 = tpu.memref_slice %arg13[%run_scoped3A_49, %dma_start3A_118] : memref<2x64xi32, #tpu.memory_space<vmem>> -> memref<1x64xi32, #tpu.memory_space<vmem>>
      %dma_start3A_120 = tpu.memref_squeeze %dma_start3A_119 : memref<1x64xi32, #tpu.memory_space<vmem>> -> memref<64xi32, #tpu.memory_space<vmem>>
      %dma_start3A_121 = arith.constant 0 : i32
      %dma_start3A_122 = tpu.memref_slice %dma_start3A_120[%dma_start3A_121] : memref<64xi32, #tpu.memory_space<vmem>> -> memref<48xi32, #tpu.memory_space<vmem>>
      %dma_start3A_123 = tpu.memref_slice %arg5[%add3A_48] : memref<331776xi32, #tpu.memory_space<hbm>> -> memref<48xi32, #tpu.memory_space<hbm>>
      %dma_start3A_124 = arith.constant 0 : i32
      %dma_start3A_125 = tpu.memref_slice %arg13[%run_scoped3A_49, %dma_start3A_124] : memref<2x64xi32, #tpu.memory_space<vmem>> -> memref<1x64xi32, #tpu.memory_space<vmem>>
      %dma_start3A_126 = tpu.memref_squeeze %dma_start3A_125 : memref<1x64xi32, #tpu.memory_space<vmem>> -> memref<64xi32, #tpu.memory_space<vmem>>
      %dma_start3A_127 = arith.constant 0 : i32
      %dma_start3A_128 = tpu.memref_slice %dma_start3A_126[%dma_start3A_127] : memref<64xi32, #tpu.memory_space<vmem>> -> memref<48xi32, #tpu.memory_space<vmem>>
      %dma_start3A_129 = tpu.memref_slice %arg5[%add3A_48] : memref<331776xi32, #tpu.memory_space<hbm>> -> memref<48xi32, #tpu.memory_space<hbm>>
      tpu.enqueue_dma source(%dma_start3A_129 : memref<48xi32, #tpu.memory_space<hbm>>) target(%dma_start3A_128 : memref<48xi32, #tpu.memory_space<vmem>>) target_semaphore(%run_scoped3A_117 : memref<!tpu.dma_semaphore, #tpu.memory_space<semaphore_mem>>)
      %dma_wait3A_130 = arith.constant 0 : i32
      %dma_wait3A_131 = tpu.memref_slice %arg13[%run_scoped3A_49, %dma_wait3A_130] : memref<2x64xi32, #tpu.memory_space<vmem>> -> memref<1x64xi32, #tpu.memory_space<vmem>>
      %dma_wait3A_132 = tpu.memref_squeeze %dma_wait3A_131 : memref<1x64xi32, #tpu.memory_space<vmem>> -> memref<64xi32, #tpu.memory_space<vmem>>
      %dma_wait3A_133 = arith.constant 0 : i32
      %dma_wait3A_134 = tpu.memref_slice %dma_wait3A_132[%dma_wait3A_133] : memref<64xi32, #tpu.memory_space<vmem>> -> memref<48xi32, #tpu.memory_space<vmem>>
      %dma_wait3A_135 = tpu.memref_slice %arg5[%add3A_48] : memref<331776xi32, #tpu.memory_space<hbm>> -> memref<48xi32, #tpu.memory_space<hbm>>
      %dma_wait3A_136 = arith.constant 0 : i32
      %dma_wait3A_137 = tpu.memref_slice %arg13[%run_scoped3A_49, %dma_wait3A_136] : memref<2x64xi32, #tpu.memory_space<vmem>> -> memref<1x64xi32, #tpu.memory_space<vmem>>
      %dma_wait3A_138 = tpu.memref_squeeze %dma_wait3A_137 : memref<1x64xi32, #tpu.memory_space<vmem>> -> memref<64xi32, #tpu.memory_space<vmem>>
      %dma_wait3A_139 = arith.constant 0 : i32
      %dma_wait3A_140 = tpu.memref_slice %dma_wait3A_138[%dma_wait3A_139] : memref<64xi32, #tpu.memory_space<vmem>> -> memref<48xi32, #tpu.memory_space<vmem>>
      %dma_wait3A_141 = tpu.memref_slice %arg5[%add3A_48] : memref<331776xi32, #tpu.memory_space<hbm>> -> memref<48xi32, #tpu.memory_space<hbm>>
      tpu.wait_dma2 semaphore(%run_scoped3A_117 : memref<!tpu.dma_semaphore, #tpu.memory_space<semaphore_mem>>) src(%dma_wait3A_141 : memref<48xi32, #tpu.memory_space<hbm>>) dst(%dma_wait3A_140 : memref<48xi32, #tpu.memory_space<vmem>>)
      tpu.yield
    }) : () -> ()
    %dma_start3A = arith.constant 0 : i32
    %dma_start3A_50 = arith.constant 0 : i32
    %dma_start3A_51 = arith.constant 0 : i32
    %dma_start3A_52 = arith.constant 0 : i32
    %dma_start3A_53 = tpu.memref_slice %arg14[%dma_start3A_50, %dma_start3A_51, %dma_start3A_52] : memref<2x48x128xf32, #tpu.memory_space<vmem>> -> memref<1x48x128xf32, #tpu.memory_space<vmem>>
    %dma_start3A_54 = tpu.memref_squeeze %dma_start3A_53 : memref<1x48x128xf32, #tpu.memory_space<vmem>> -> memref<48x128xf32, #tpu.memory_space<vmem>>
    %dma_start3A_55 = arith.constant 0 : i32
    %dma_start3A_56 = tpu.memref_slice %arg12[%dma_start3A, %dma_start3A_55] : memref<2x48xi32, #tpu.memory_space<vmem>> -> memref<1x48xi32, #tpu.memory_space<vmem>>
    %dma_start3A_57 = tpu.memref_squeeze %dma_start3A_56 : memref<1x48xi32, #tpu.memory_space<vmem>> -> memref<48xi32, #tpu.memory_space<vmem>>
    %dma_start3A_58 = arith.constant 0 : i32
    %dma_start3A_59 = arith.constant 0 : i32
    %dma_start3A_60 = tpu.memref_slice %arg2[%dma_start3A_58, %dma_start3A_59] : memref<10112x128xf32, #tpu.memory_space<hbm>> -> memref<10112x128xf32, #tpu.memory_space<hbm>>
    tpu.enqueue_indirect_dma source(%dma_start3A_60 : memref<10112x128xf32, #tpu.memory_space<hbm>>) target(%dma_start3A_54 : memref<48x128xf32, #tpu.memory_space<vmem>>) offsets(%dma_start3A_57 : memref<48xi32, #tpu.memory_space<vmem>>) semaphore(%arg20 : memref<!tpu.dma_semaphore, #tpu.memory_space<semaphore_mem>>)
    %dma_start3A_61 = arith.constant 0 : i32
    %dma_start3A_62 = arith.constant 0 : i32
    %dma_start3A_63 = arith.constant 0 : i32
    %dma_start3A_64 = arith.constant 0 : i32
    %dma_start3A_65 = tpu.memref_slice %arg15[%dma_start3A_62, %dma_start3A_63, %dma_start3A_64] : memref<2x48x128xf32, #tpu.memory_space<vmem>> -> memref<1x48x128xf32, #tpu.memory_space<vmem>>
    %dma_start3A_66 = tpu.memref_squeeze %dma_start3A_65 : memref<1x48x128xf32, #tpu.memory_space<vmem>> -> memref<48x128xf32, #tpu.memory_space<vmem>>
    %dma_start3A_67 = arith.constant 0 : i32
    %dma_start3A_68 = tpu.memref_slice %arg13[%dma_start3A_61, %dma_start3A_67] : memref<2x64xi32, #tpu.memory_space<vmem>> -> memref<1x64xi32, #tpu.memory_space<vmem>>
    %dma_start3A_69 = tpu.memref_squeeze %dma_start3A_68 : memref<1x64xi32, #tpu.memory_space<vmem>> -> memref<64xi32, #tpu.memory_space<vmem>>
    %dma_start3A_70 = arith.constant 0 : i32
    %dma_start3A_71 = tpu.memref_slice %dma_start3A_69[%dma_start3A_70] : memref<64xi32, #tpu.memory_space<vmem>> -> memref<48xi32, #tpu.memory_space<vmem>>
    %dma_start3A_72 = arith.constant 0 : i32
    %dma_start3A_73 = arith.constant 0 : i32
    %dma_start3A_74 = tpu.memref_slice %arg3[%dma_start3A_72, %dma_start3A_73] : memref<10112x128xf32, #tpu.memory_space<hbm>> -> memref<10112x128xf32, #tpu.memory_space<hbm>>
    tpu.enqueue_indirect_dma source(%dma_start3A_74 : memref<10112x128xf32, #tpu.memory_space<hbm>>) target(%dma_start3A_66 : memref<48x128xf32, #tpu.memory_space<vmem>>) offsets(%dma_start3A_71 : memref<48xi32, #tpu.memory_space<vmem>>) semaphore(%arg22 : memref<!tpu.dma_semaphore, #tpu.memory_space<semaphore_mem>>)
    %scan3A = arith.constant 0 : i32
    %scan3A_75 = arith.constant 0 : i32
    %scan3A_76 = arith.constant 108 : i32
    %scan3A_77 = arith.addi %scan3A_75, %scan3A_76 : i32
    %scan3A_78 = arith.constant 1 : i32
    %scan3A_79 = scf.for %scan3A_117 = %scan3A_75 to %scan3A_77 step %scan3A_78 iter_args(%scan3A_118 = %scan3A) -> (i32)  : i32 {
      %mul3A_119 = arith.constant 2 : i32
      %mul3A_120 = arith.muli %mul3A_119, %scan3A_117 : i32
      %dma_wait3A_121 = arith.constant 0 : i32
      %dma_wait3A_122 = arith.constant 0 : i32
      %dma_wait3A_123 = arith.constant 0 : i32
      %dma_wait3A_124 = arith.constant 0 : i32
      %dma_wait3A_125 = tpu.memref_slice %arg14[%dma_wait3A_122, %dma_wait3A_123, %dma_wait3A_124] : memref<2x48x128xf32, #tpu.memory_space<vmem>> -> memref<1x48x128xf32, #tpu.memory_space<vmem>>
      %dma_wait3A_126 = tpu.memref_squeeze %dma_wait3A_125 : memref<1x48x128xf32, #tpu.memory_space<vmem>> -> memref<48x128xf32, #tpu.memory_space<vmem>>
      %dma_wait3A_127 = arith.constant 0 : i32
      %dma_wait3A_128 = tpu.memref_slice %arg12[%dma_wait3A_121, %dma_wait3A_127] : memref<2x48xi32, #tpu.memory_space<vmem>> -> memref<1x48xi32, #tpu.memory_space<vmem>>
      %dma_wait3A_129 = tpu.memref_squeeze %dma_wait3A_128 : memref<1x48xi32, #tpu.memory_space<vmem>> -> memref<48xi32, #tpu.memory_space<vmem>>
      %dma_wait3A_130 = arith.constant 0 : i32
      %dma_wait3A_131 = arith.constant 0 : i32
      %dma_wait3A_132 = tpu.memref_slice %arg2[%dma_wait3A_130, %dma_wait3A_131] : memref<10112x128xf32, #tpu.memory_space<hbm>> -> memref<10112x128xf32, #tpu.memory_space<hbm>>
      tpu.wait_indirect_dma semaphore(%arg20 : memref<!tpu.dma_semaphore, #tpu.memory_space<semaphore_mem>>) src(%dma_wait3A_132 : memref<10112x128xf32, #tpu.memory_space<hbm>>) dst(%dma_wait3A_126 : memref<48x128xf32, #tpu.memory_space<vmem>>)
      %dma_wait3A_133 = arith.constant 0 : i32
      %dma_wait3A_134 = arith.constant 0 : i32
      %dma_wait3A_135 = arith.constant 0 : i32
      %dma_wait3A_136 = arith.constant 0 : i32
      %dma_wait3A_137 = tpu.memref_slice %arg15[%dma_wait3A_134, %dma_wait3A_135, %dma_wait3A_136] : memref<2x48x128xf32, #tpu.memory_space<vmem>> -> memref<1x48x128xf32, #tpu.memory_space<vmem>>
      %dma_wait3A_138 = tpu.memref_squeeze %dma_wait3A_137 : memref<1x48x128xf32, #tpu.memory_space<vmem>> -> memref<48x128xf32, #tpu.memory_space<vmem>>
      %dma_wait3A_139 = arith.constant 0 : i32
      %dma_wait3A_140 = tpu.memref_slice %arg12[%dma_wait3A_133, %dma_wait3A_139] : memref<2x48xi32, #tpu.memory_space<vmem>> -> memref<1x48xi32, #tpu.memory_space<vmem>>
      %dma_wait3A_141 = tpu.memref_squeeze %dma_wait3A_140 : memref<1x48xi32, #tpu.memory_space<vmem>> -> memref<48xi32, #tpu.memory_space<vmem>>
      %dma_wait3A_142 = arith.constant 0 : i32
      %dma_wait3A_143 = arith.constant 0 : i32
      %dma_wait3A_144 = tpu.memref_slice %arg2[%dma_wait3A_142, %dma_wait3A_143] : memref<10112x128xf32, #tpu.memory_space<hbm>> -> memref<10112x128xf32, #tpu.memory_space<hbm>>
      tpu.wait_indirect_dma semaphore(%arg22 : memref<!tpu.dma_semaphore, #tpu.memory_space<semaphore_mem>>) src(%dma_wait3A_144 : memref<10112x128xf32, #tpu.memory_space<hbm>>) dst(%dma_wait3A_138 : memref<48x128xf32, #tpu.memory_space<vmem>>)
      %add3A_145 = arith.constant 1 : i32
      %add3A_146 = arith.addi %mul3A_120, %add3A_145 : i32
      %mul3A_147 = arith.constant 10368 : i32
      %mul3A_148 = arith.muli %add3A, %mul3A_147 : i32
      %min3A_149 = arith.constant 215 : i32
      %min3A_150 = arith.minsi %add3A_146, %min3A_149 : i32
      %mul3A_151 = arith.constant 48 : i32
      %mul3A_152 = arith.muli %min3A_150, %mul3A_151 : i32
      %add3A_153 = arith.addi %mul3A_148, %mul3A_152 : i32
      %run_scoped3A_154 = arith.constant 1 : i32
      "tpu.region"() ({
        %run_scoped3A_334 = tpu.sem_alloc : memref<!tpu.dma_semaphore, #tpu.memory_space<semaphore_mem>>
        %dma_start3A_335 = arith.constant 0 : i32
        %dma_start3A_336 = tpu.memref_slice %arg12[%run_scoped3A_154, %dma_start3A_335] : memref<2x48xi32, #tpu.memory_space<vmem>> -> memref<1x48xi32, #tpu.memory_space<vmem>>
        %dma_start3A_337 = tpu.memref_squeeze %dma_start3A_336 : memref<1x48xi32, #tpu.memory_space<vmem>> -> memref<48xi32, #tpu.memory_space<vmem>>
        %dma_start3A_338 = tpu.memref_slice %arg4[%add3A_153] : memref<331776xi32, #tpu.memory_space<hbm>> -> memref<48xi32, #tpu.memory_space<hbm>>
        %dma_start3A_339 = arith.constant 0 : i32
        %dma_start3A_340 = tpu.memref_slice %arg12[%run_scoped3A_154, %dma_start3A_339] : memref<2x48xi32, #tpu.memory_space<vmem>> -> memref<1x48xi32, #tpu.memory_space<vmem>>
        %dma_start3A_341 = tpu.memref_squeeze %dma_start3A_340 : memref<1x48xi32, #tpu.memory_space<vmem>> -> memref<48xi32, #tpu.memory_space<vmem>>
        %dma_start3A_342 = tpu.memref_slice %arg4[%add3A_153] : memref<331776xi32, #tpu.memory_space<hbm>> -> memref<48xi32, #tpu.memory_space<hbm>>
        tpu.enqueue_dma source(%dma_start3A_342 : memref<48xi32, #tpu.memory_space<hbm>>) target(%dma_start3A_341 : memref<48xi32, #tpu.memory_space<vmem>>) target_semaphore(%run_scoped3A_334 : memref<!tpu.dma_semaphore, #tpu.memory_space<semaphore_mem>>)
        %dma_wait3A_343 = arith.constant 0 : i32
        %dma_wait3A_344 = tpu.memref_slice %arg12[%run_scoped3A_154, %dma_wait3A_343] : memref<2x48xi32, #tpu.memory_space<vmem>> -> memref<1x48xi32, #tpu.memory_space<vmem>>
        %dma_wait3A_345 = tpu.memref_squeeze %dma_wait3A_344 : memref<1x48xi32, #tpu.memory_space<vmem>> -> memref<48xi32, #tpu.memory_space<vmem>>
        %dma_wait3A_346 = tpu.memref_slice %arg4[%add3A_153] : memref<331776xi32, #tpu.memory_space<hbm>> -> memref<48xi32, #tpu.memory_space<hbm>>
        %dma_wait3A_347 = arith.constant 0 : i32
        %dma_wait3A_348 = tpu.memref_slice %arg12[%run_scoped3A_154, %dma_wait3A_347] : memref<2x48xi32, #tpu.memory_space<vmem>> -> memref<1x48xi32, #tpu.memory_space<vmem>>
        %dma_wait3A_349 = tpu.memref_squeeze %dma_wait3A_348 : memref<1x48xi32, #tpu.memory_space<vmem>> -> memref<48xi32, #tpu.memory_space<vmem>>
        %dma_wait3A_350 = tpu.memref_slice %arg4[%add3A_153] : memref<331776xi32, #tpu.memory_space<hbm>> -> memref<48xi32, #tpu.memory_space<hbm>>
        tpu.wait_dma2 semaphore(%run_scoped3A_334 : memref<!tpu.dma_semaphore, #tpu.memory_space<semaphore_mem>>) src(%dma_wait3A_350 : memref<48xi32, #tpu.memory_space<hbm>>) dst(%dma_wait3A_349 : memref<48xi32, #tpu.memory_space<vmem>>)
        tpu.yield
      }) : () -> ()
      %run_scoped3A_155 = arith.constant 1 : i32
      "tpu.region"() ({
        %run_scoped3A_334 = tpu.sem_alloc : memref<!tpu.dma_semaphore, #tpu.memory_space<semaphore_mem>>
        %dma_start3A_335 = arith.constant 0 : i32
        %dma_start3A_336 = tpu.memref_slice %arg13[%run_scoped3A_155, %dma_start3A_335] : memref<2x64xi32, #tpu.memory_space<vmem>> -> memref<1x64xi32, #tpu.memory_space<vmem>>
        %dma_start3A_337 = tpu.memref_squeeze %dma_start3A_336 : memref<1x64xi32, #tpu.memory_space<vmem>> -> memref<64xi32, #tpu.memory_space<vmem>>
        %dma_start3A_338 = arith.constant 0 : i32
        %dma_start3A_339 = tpu.memref_slice %dma_start3A_337[%dma_start3A_338] : memref<64xi32, #tpu.memory_space<vmem>> -> memref<48xi32, #tpu.memory_space<vmem>>
        %dma_start3A_340 = tpu.memref_slice %arg5[%add3A_153] : memref<331776xi32, #tpu.memory_space<hbm>> -> memref<48xi32, #tpu.memory_space<hbm>>
        %dma_start3A_341 = arith.constant 0 : i32
        %dma_start3A_342 = tpu.memref_slice %arg13[%run_scoped3A_155, %dma_start3A_341] : memref<2x64xi32, #tpu.memory_space<vmem>> -> memref<1x64xi32, #tpu.memory_space<vmem>>
        %dma_start3A_343 = tpu.memref_squeeze %dma_start3A_342 : memref<1x64xi32, #tpu.memory_space<vmem>> -> memref<64xi32, #tpu.memory_space<vmem>>
        %dma_start3A_344 = arith.constant 0 : i32
        %dma_start3A_345 = tpu.memref_slice %dma_start3A_343[%dma_start3A_344] : memref<64xi32, #tpu.memory_space<vmem>> -> memref<48xi32, #tpu.memory_space<vmem>>
        %dma_start3A_346 = tpu.memref_slice %arg5[%add3A_153] : memref<331776xi32, #tpu.memory_space<hbm>> -> memref<48xi32, #tpu.memory_space<hbm>>
        tpu.enqueue_dma source(%dma_start3A_346 : memref<48xi32, #tpu.memory_space<hbm>>) target(%dma_start3A_345 : memref<48xi32, #tpu.memory_space<vmem>>) target_semaphore(%run_scoped3A_334 : memref<!tpu.dma_semaphore, #tpu.memory_space<semaphore_mem>>)
        %dma_wait3A_347 = arith.constant 0 : i32
        %dma_wait3A_348 = tpu.memref_slice %arg13[%run_scoped3A_155, %dma_wait3A_347] : memref<2x64xi32, #tpu.memory_space<vmem>> -> memref<1x64xi32, #tpu.memory_space<vmem>>
        %dma_wait3A_349 = tpu.memref_squeeze %dma_wait3A_348 : memref<1x64xi32, #tpu.memory_space<vmem>> -> memref<64xi32, #tpu.memory_space<vmem>>
        %dma_wait3A_350 = arith.constant 0 : i32
        %dma_wait3A_351 = tpu.memref_slice %dma_wait3A_349[%dma_wait3A_350] : memref<64xi32, #tpu.memory_space<vmem>> -> memref<48xi32, #tpu.memory_space<vmem>>
        %dma_wait3A_352 = tpu.memref_slice %arg5[%add3A_153] : memref<331776xi32, #tpu.memory_space<hbm>> -> memref<48xi32, #tpu.memory_space<hbm>>
        %dma_wait3A_353 = arith.constant 0 : i32
        %dma_wait3A_354 = tpu.memref_slice %arg13[%run_scoped3A_155, %dma_wait3A_353] : memref<2x64xi32, #tpu.memory_space<vmem>> -> memref<1x64xi32, #tpu.memory_space<vmem>>
        %dma_wait3A_355 = tpu.memref_squeeze %dma_wait3A_354 : memref<1x64xi32, #tpu.memory_space<vmem>> -> memref<64xi32, #tpu.memory_space<vmem>>
        %dma_wait3A_356 = arith.constant 0 : i32
        %dma_wait3A_357 = tpu.memref_slice %dma_wait3A_355[%dma_wait3A_356] : memref<64xi32, #tpu.memory_space<vmem>> -> memref<48xi32, #tpu.memory_space<vmem>>
        %dma_wait3A_358 = tpu.memref_slice %arg5[%add3A_153] : memref<331776xi32, #tpu.memory_space<hbm>> -> memref<48xi32, #tpu.memory_space<hbm>>
        tpu.wait_dma2 semaphore(%run_scoped3A_334 : memref<!tpu.dma_semaphore, #tpu.memory_space<semaphore_mem>>) src(%dma_wait3A_358 : memref<48xi32, #tpu.memory_space<hbm>>) dst(%dma_wait3A_357 : memref<48xi32, #tpu.memory_space<vmem>>)
        tpu.yield
      }) : () -> ()
      %dma_start3A_156 = arith.constant 1 : i32
      %dma_start3A_157 = arith.constant 1 : i32
      %dma_start3A_158 = arith.constant 0 : i32
      %dma_start3A_159 = arith.constant 0 : i32
      %dma_start3A_160 = tpu.memref_slice %arg14[%dma_start3A_157, %dma_start3A_158, %dma_start3A_159] : memref<2x48x128xf32, #tpu.memory_space<vmem>> -> memref<1x48x128xf32, #tpu.memory_space<vmem>>
      %dma_start3A_161 = tpu.memref_squeeze %dma_start3A_160 : memref<1x48x128xf32, #tpu.memory_space<vmem>> -> memref<48x128xf32, #tpu.memory_space<vmem>>
      %dma_start3A_162 = arith.constant 0 : i32
      %dma_start3A_163 = tpu.memref_slice %arg12[%dma_start3A_156, %dma_start3A_162] : memref<2x48xi32, #tpu.memory_space<vmem>> -> memref<1x48xi32, #tpu.memory_space<vmem>>
      %dma_start3A_164 = tpu.memref_squeeze %dma_start3A_163 : memref<1x48xi32, #tpu.memory_space<vmem>> -> memref<48xi32, #tpu.memory_space<vmem>>
      %dma_start3A_165 = arith.constant 0 : i32
      %dma_start3A_166 = arith.constant 0 : i32
      %dma_start3A_167 = tpu.memref_slice %arg2[%dma_start3A_165, %dma_start3A_166] : memref<10112x128xf32, #tpu.memory_space<hbm>> -> memref<10112x128xf32, #tpu.memory_space<hbm>>
      tpu.enqueue_indirect_dma source(%dma_start3A_167 : memref<10112x128xf32, #tpu.memory_space<hbm>>) target(%dma_start3A_161 : memref<48x128xf32, #tpu.memory_space<vmem>>) offsets(%dma_start3A_164 : memref<48xi32, #tpu.memory_space<vmem>>) semaphore(%arg21 : memref<!tpu.dma_semaphore, #tpu.memory_space<semaphore_mem>>)
      %dma_start3A_168 = arith.constant 1 : i32
      %dma_start3A_169 = arith.constant 1 : i32
      %dma_start3A_170 = arith.constant 0 : i32
      %dma_start3A_171 = arith.constant 0 : i32
      %dma_start3A_172 = tpu.memref_slice %arg15[%dma_start3A_169, %dma_start3A_170, %dma_start3A_171] : memref<2x48x128xf32, #tpu.memory_space<vmem>> -> memref<1x48x128xf32, #tpu.memory_space<vmem>>
      %dma_start3A_173 = tpu.memref_squeeze %dma_start3A_172 : memref<1x48x128xf32, #tpu.memory_space<vmem>> -> memref<48x128xf32, #tpu.memory_space<vmem>>
      %dma_start3A_174 = arith.constant 0 : i32
      %dma_start3A_175 = tpu.memref_slice %arg13[%dma_start3A_168, %dma_start3A_174] : memref<2x64xi32, #tpu.memory_space<vmem>> -> memref<1x64xi32, #tpu.memory_space<vmem>>
      %dma_start3A_176 = tpu.memref_squeeze %dma_start3A_175 : memref<1x64xi32, #tpu.memory_space<vmem>> -> memref<64xi32, #tpu.memory_space<vmem>>
      %dma_start3A_177 = arith.constant 0 : i32
      %dma_start3A_178 = tpu.memref_slice %dma_start3A_176[%dma_start3A_177] : memref<64xi32, #tpu.memory_space<vmem>> -> memref<48xi32, #tpu.memory_space<vmem>>
      %dma_start3A_179 = arith.constant 0 : i32
      %dma_start3A_180 = arith.constant 0 : i32
      %dma_start3A_181 = tpu.memref_slice %arg3[%dma_start3A_179, %dma_start3A_180] : memref<10112x128xf32, #tpu.memory_space<hbm>> -> memref<10112x128xf32, #tpu.memory_space<hbm>>
      tpu.enqueue_indirect_dma source(%dma_start3A_181 : memref<10112x128xf32, #tpu.memory_space<hbm>>) target(%dma_start3A_173 : memref<48x128xf32, #tpu.memory_space<vmem>>) offsets(%dma_start3A_178 : memref<48xi32, #tpu.memory_space<vmem>>) semaphore(%arg23 : memref<!tpu.dma_semaphore, #tpu.memory_space<semaphore_mem>>)
      %scan3A_182 = arith.constant 0 : i32
      %scan3A_183 = arith.constant 0 : i32
      %scan3A_184 = arith.constant 48 : i32
      %scan3A_185 = arith.addi %scan3A_183, %scan3A_184 : i32
      %scan3A_186 = arith.constant 1 : i32
      %scan3A_187 = scf.for %scan3A_334 = %scan3A_183 to %scan3A_185 step %scan3A_186 iter_args(%scan3A_335 = %scan3A_182) -> (i32)  : i32 {
        %get3A_336 = arith.constant 0 : i32
        %get3A_337 = arith.index_cast %get3A_336 : i32 to index
        %get3A_338 = arith.index_cast %scan3A_334 : i32 to index
        %get3A_339 = arith.constant 0 : index
        %get3A_340 = tpu.vector_load %arg14[%get3A_337, %get3A_338, %get3A_339] {strides = array<i32>} : memref<2x48x128xf32, #tpu.memory_space<vmem>>, vector<1x1x16xf32>,
        %get3A_341 = vector.shape_cast %get3A_340 : vector<1x1x16xf32> to vector<16xf32>
        %get3A_342 = arith.constant 0 : i32
        %get3A_343 = arith.index_cast %get3A_342 : i32 to index
        %get3A_344 = arith.index_cast %scan3A_334 : i32 to index
        %get3A_345 = arith.constant 16 : index
        %get3A_346 = tpu.vector_load %arg14[%get3A_343, %get3A_344, %get3A_345] {strides = array<i32>} : memref<2x48x128xf32, #tpu.memory_space<vmem>>, vector<1x1x16xf32>,
        %get3A_347 = vector.shape_cast %get3A_346 : vector<1x1x16xf32> to vector<16xf32>
        %get3A_348 = arith.constant 0 : i32
        %get3A_349 = arith.index_cast %get3A_348 : i32 to index
        %get3A_350 = arith.index_cast %scan3A_334 : i32 to index
        %get3A_351 = arith.constant 32 : index
        %get3A_352 = tpu.vector_load %arg14[%get3A_349, %get3A_350, %get3A_351] {strides = array<i32>} : memref<2x48x128xf32, #tpu.memory_space<vmem>>, vector<1x1x16xf32>,
        %get3A_353 = vector.shape_cast %get3A_352 : vector<1x1x16xf32> to vector<16xf32>
        %get3A_354 = arith.constant 0 : i32
        %get3A_355 = arith.index_cast %get3A_354 : i32 to index
        %get3A_356 = arith.index_cast %scan3A_334 : i32 to index
        %get3A_357 = arith.constant 48 : index
        %get3A_358 = tpu.vector_load %arg14[%get3A_355, %get3A_356, %get3A_357] {strides = array<i32>} : memref<2x48x128xf32, #tpu.memory_space<vmem>>, vector<1x1x16xf32>,
        %get3A_359 = vector.shape_cast %get3A_358 : vector<1x1x16xf32> to vector<16xf32>
        %get3A_360 = arith.constant 0 : i32
        %get3A_361 = arith.index_cast %get3A_360 : i32 to index
        %get3A_362 = arith.index_cast %scan3A_334 : i32 to index
        %get3A_363 = arith.constant 64 : index
        %get3A_364 = tpu.vector_load %arg14[%get3A_361, %get3A_362, %get3A_363] {strides = array<i32>} : memref<2x48x128xf32, #tpu.memory_space<vmem>>, vector<1x1x16xf32>,
        %get3A_365 = vector.shape_cast %get3A_364 : vector<1x1x16xf32> to vector<16xf32>
        %get3A_366 = arith.constant 0 : i32
        %get3A_367 = arith.index_cast %get3A_366 : i32 to index
        %get3A_368 = arith.index_cast %scan3A_334 : i32 to index
        %get3A_369 = arith.constant 80 : index
        %get3A_370 = tpu.vector_load %arg14[%get3A_367, %get3A_368, %get3A_369] {strides = array<i32>} : memref<2x48x128xf32, #tpu.memory_space<vmem>>, vector<1x1x16xf32>,
        %get3A_371 = vector.shape_cast %get3A_370 : vector<1x1x16xf32> to vector<16xf32>
        %get3A_372 = arith.constant 0 : i32
        %get3A_373 = arith.index_cast %get3A_372 : i32 to index
        %get3A_374 = arith.index_cast %scan3A_334 : i32 to index
        %get3A_375 = arith.constant 96 : index
        %get3A_376 = tpu.vector_load %arg14[%get3A_373, %get3A_374, %get3A_375] {strides = array<i32>} : memref<2x48x128xf32, #tpu.memory_space<vmem>>, vector<1x1x16xf32>,
        %get3A_377 = vector.shape_cast %get3A_376 : vector<1x1x16xf32> to vector<16xf32>
        %get3A_378 = arith.constant 0 : i32
        %get3A_379 = arith.index_cast %get3A_378 : i32 to index
        %get3A_380 = arith.index_cast %scan3A_334 : i32 to index
        %get3A_381 = arith.constant 112 : index
        %get3A_382 = tpu.vector_load %arg14[%get3A_379, %get3A_380, %get3A_381] {strides = array<i32>} : memref<2x48x128xf32, #tpu.memory_space<vmem>>, vector<1x1x16xf32>,
        %get3A_383 = vector.shape_cast %get3A_382 : vector<1x1x16xf32> to vector<16xf32>
        %get3A_384 = arith.constant 0 : i32
        %get3A_385 = arith.index_cast %get3A_384 : i32 to index
        %get3A_386 = arith.index_cast %scan3A_334 : i32 to index
        %get3A_387 = arith.constant 0 : index
        %get3A_388 = tpu.vector_load %arg15[%get3A_385, %get3A_386, %get3A_387] {strides = array<i32>} : memref<2x48x128xf32, #tpu.memory_space<vmem>>, vector<1x1x16xf32>,
        %get3A_389 = vector.shape_cast %get3A_388 : vector<1x1x16xf32> to vector<16xf32>
        %add3A_390 = arith.addf %get3A_341, %get3A_389 : vector<16xf32>
        %mul3A_391 = arith.constant 2.000000e-01 : f32
        %mul3A_392 = vector.broadcast %mul3A_391 : f32 to vector<16xf32>
        %mul3A_393 = arith.mulf %mul3A_392, %add3A_390 : vector<16xf32>
        %max3A = arith.maximumf %add3A_390, %mul3A_393 : vector<16xf32>
        %mul3A_394 = arith.mulf %max3A, %get3A_8 : vector<16xf32>
        %add3A_395 = arith.addf %broadcast_in_dim3A_30, %mul3A_394 : vector<16xf32>
        %get3A_396 = arith.constant 0 : i32
        %get3A_397 = arith.index_cast %get3A_396 : i32 to index
        %get3A_398 = arith.index_cast %scan3A_334 : i32 to index
        %get3A_399 = arith.constant 16 : index
        %get3A_400 = tpu.vector_load %arg15[%get3A_397, %get3A_398, %get3A_399] {strides = array<i32>} : memref<2x48x128xf32, #tpu.memory_space<vmem>>, vector<1x1x16xf32>,
        %get3A_401 = vector.shape_cast %get3A_400 : vector<1x1x16xf32> to vector<16xf32>
        %add3A_402 = arith.addf %get3A_347, %get3A_401 : vector<16xf32>
        %mul3A_403 = arith.constant 2.000000e-01 : f32
        %mul3A_404 = vector.broadcast %mul3A_403 : f32 to vector<16xf32>
        %mul3A_405 = arith.mulf %mul3A_404, %add3A_402 : vector<16xf32>
        %max3A_406 = arith.maximumf %add3A_402, %mul3A_405 : vector<16xf32>
        %mul3A_407 = arith.mulf %max3A_406, %get3A_11 : vector<16xf32>
        %add3A_408 = arith.addf %add3A_395, %mul3A_407 : vector<16xf32>
        %get3A_409 = arith.constant 0 : i32
        %get3A_410 = arith.index_cast %get3A_409 : i32 to index
        %get3A_411 = arith.index_cast %scan3A_334 : i32 to index
        %get3A_412 = arith.constant 32 : index
        %get3A_413 = tpu.vector_load %arg15[%get3A_410, %get3A_411, %get3A_412] {strides = array<i32>} : memref<2x48x128xf32, #tpu.memory_space<vmem>>, vector<1x1x16xf32>,
        %get3A_414 = vector.shape_cast %get3A_413 : vector<1x1x16xf32> to vector<16xf32>
        %add3A_415 = arith.addf %get3A_353, %get3A_414 : vector<16xf32>
        %mul3A_416 = arith.constant 2.000000e-01 : f32
        %mul3A_417 = vector.broadcast %mul3A_416 : f32 to vector<16xf32>
        %mul3A_418 = arith.mulf %mul3A_417, %add3A_415 : vector<16xf32>
        %max3A_419 = arith.maximumf %add3A_415, %mul3A_418 : vector<16xf32>
        %mul3A_420 = arith.mulf %max3A_419, %get3A_14 : vector<16xf32>
        %add3A_421 = arith.addf %add3A_408, %mul3A_420 : vector<16xf32>
        %get3A_422 = arith.constant 0 : i32
        %get3A_423 = arith.index_cast %get3A_422 : i32 to index
        %get3A_424 = arith.index_cast %scan3A_334 : i32 to index
        %get3A_425 = arith.constant 48 : index
        %get3A_426 = tpu.vector_load %arg15[%get3A_423, %get3A_424, %get3A_425] {strides = array<i32>} : memref<2x48x128xf32, #tpu.memory_space<vmem>>, vector<1x1x16xf32>,
        %get3A_427 = vector.shape_cast %get3A_426 : vector<1x1x16xf32> to vector<16xf32>
        %add3A_428 = arith.addf %get3A_359, %get3A_427 : vector<16xf32>
        %mul3A_429 = arith.constant 2.000000e-01 : f32
        %mul3A_430 = vector.broadcast %mul3A_429 : f32 to vector<16xf32>
        %mul3A_431 = arith.mulf %mul3A_430, %add3A_428 : vector<16xf32>
        %max3A_432 = arith.maximumf %add3A_428, %mul3A_431 : vector<16xf32>
        %mul3A_433 = arith.mulf %max3A_432, %get3A_17 : vector<16xf32>
        %add3A_434 = arith.addf %add3A_421, %mul3A_433 : vector<16xf32>
        %get3A_435 = arith.constant 0 : i32
        %get3A_436 = arith.index_cast %get3A_435 : i32 to index
        %get3A_437 = arith.index_cast %scan3A_334 : i32 to index
        %get3A_438 = arith.constant 64 : index
        %get3A_439 = tpu.vector_load %arg15[%get3A_436, %get3A_437, %get3A_438] {strides = array<i32>} : memref<2x48x128xf32, #tpu.memory_space<vmem>>, vector<1x1x16xf32>,
        %get3A_440 = vector.shape_cast %get3A_439 : vector<1x1x16xf32> to vector<16xf32>
        %add3A_441 = arith.addf %get3A_365, %get3A_440 : vector<16xf32>
        %mul3A_442 = arith.constant 2.000000e-01 : f32
        %mul3A_443 = vector.broadcast %mul3A_442 : f32 to vector<16xf32>
        %mul3A_444 = arith.mulf %mul3A_443, %add3A_441 : vector<16xf32>
        %max3A_445 = arith.maximumf %add3A_441, %mul3A_444 : vector<16xf32>
        %mul3A_446 = arith.mulf %max3A_445, %get3A_20 : vector<16xf32>
        %add3A_447 = arith.addf %broadcast_in_dim3A_30, %mul3A_446 : vector<16xf32>
        %get3A_448 = arith.constant 0 : i32
        %get3A_449 = arith.index_cast %get3A_448 : i32 to index
        %get3A_450 = arith.index_cast %scan3A_334 : i32 to index
        %get3A_451 = arith.constant 80 : index
        %get3A_452 = tpu.vector_load %arg15[%get3A_449, %get3A_450, %get3A_451] {strides = array<i32>} : memref<2x48x128xf32, #tpu.memory_space<vmem>>, vector<1x1x16xf32>,
        %get3A_453 = vector.shape_cast %get3A_452 : vector<1x1x16xf32> to vector<16xf32>
        %add3A_454 = arith.addf %get3A_371, %get3A_453 : vector<16xf32>
        %mul3A_455 = arith.constant 2.000000e-01 : f32
        %mul3A_456 = vector.broadcast %mul3A_455 : f32 to vector<16xf32>
        %mul3A_457 = arith.mulf %mul3A_456, %add3A_454 : vector<16xf32>
        %max3A_458 = arith.maximumf %add3A_454, %mul3A_457 : vector<16xf32>
        %mul3A_459 = arith.mulf %max3A_458, %get3A_23 : vector<16xf32>
        %add3A_460 = arith.addf %add3A_447, %mul3A_459 : vector<16xf32>
        %get3A_461 = arith.constant 0 : i32
        %get3A_462 = arith.index_cast %get3A_461 : i32 to index
        %get3A_463 = arith.index_cast %scan3A_334 : i32 to index
        %get3A_464 = arith.constant 96 : index
        %get3A_465 = tpu.vector_load %arg15[%get3A_462, %get3A_463, %get3A_464] {strides = array<i32>} : memref<2x48x128xf32, #tpu.memory_space<vmem>>, vector<1x1x16xf32>,
        %get3A_466 = vector.shape_cast %get3A_465 : vector<1x1x16xf32> to vector<16xf32>
        %add3A_467 = arith.addf %get3A_377, %get3A_466 : vector<16xf32>
        %mul3A_468 = arith.constant 2.000000e-01 : f32
        %mul3A_469 = vector.broadcast %mul3A_468 : f32 to vector<16xf32>
        %mul3A_470 = arith.mulf %mul3A_469, %add3A_467 : vector<16xf32>
        %max3A_471 = arith.maximumf %add3A_467, %mul3A_470 : vector<16xf32>
        %mul3A_472 = arith.mulf %max3A_471, %get3A_26 : vector<16xf32>
        %add3A_473 = arith.addf %add3A_460, %mul3A_472 : vector<16xf32>
        %get3A_474 = arith.constant 0 : i32
        %get3A_475 = arith.index_cast %get3A_474 : i32 to index
        %get3A_476 = arith.index_cast %scan3A_334 : i32 to index
        %get3A_477 = arith.constant 112 : index
        %get3A_478 = tpu.vector_load %arg15[%get3A_475, %get3A_476, %get3A_477] {strides = array<i32>} : memref<2x48x128xf32, #tpu.memory_space<vmem>>, vector<1x1x16xf32>,
        %get3A_479 = vector.shape_cast %get3A_478 : vector<1x1x16xf32> to vector<16xf32>
        %add3A_480 = arith.addf %get3A_383, %get3A_479 : vector<16xf32>
        %mul3A_481 = arith.constant 2.000000e-01 : f32
        %mul3A_482 = vector.broadcast %mul3A_481 : f32 to vector<16xf32>
        %mul3A_483 = arith.mulf %mul3A_482, %add3A_480 : vector<16xf32>
        %max3A_484 = arith.maximumf %add3A_480, %mul3A_483 : vector<16xf32>
        %mul3A_485 = arith.mulf %max3A_484, %get3A_29 : vector<16xf32>
        %add3A_486 = arith.addf %add3A_473, %mul3A_485 : vector<16xf32>
        %broadcast_in_dim3A_487 = vector.shape_cast %xor3A_32 : vector<16xi32> to vector<16x1xi32>
        %gather3A = vector.shape_cast %broadcast_in_dim3A_487 : vector<16x1xi32> to vector<16xi32>
        %gather3A_488 = tpu.dynamic_gather %add3A_434[%gather3A] in [0] : vector<16xf32>, vector<16xi32> -> vector<16xf32>
        %add3A_489 = arith.addf %add3A_434, %gather3A_488 : vector<16xf32>
        %broadcast_in_dim3A_490 = vector.shape_cast %xor3A_35 : vector<16xi32> to vector<16x1xi32>
        %gather3A_491 = vector.shape_cast %broadcast_in_dim3A_490 : vector<16x1xi32> to vector<16xi32>
        %gather3A_492 = tpu.dynamic_gather %add3A_489[%gather3A_491] in [0] : vector<16xf32>, vector<16xi32> -> vector<16xf32>
        %add3A_493 = arith.addf %add3A_489, %gather3A_492 : vector<16xf32>
        %broadcast_in_dim3A_494 = vector.shape_cast %xor3A_38 : vector<16xi32> to vector<16x1xi32>
        %gather3A_495 = vector.shape_cast %broadcast_in_dim3A_494 : vector<16x1xi32> to vector<16xi32>
        %gather3A_496 = tpu.dynamic_gather %add3A_493[%gather3A_495] in [0] : vector<16xf32>, vector<16xi32> -> vector<16xf32>
        %add3A_497 = arith.addf %add3A_493, %gather3A_496 : vector<16xf32>
        %broadcast_in_dim3A_498 = vector.shape_cast %xor3A_41 : vector<16xi32> to vector<16x1xi32>
        %gather3A_499 = vector.shape_cast %broadcast_in_dim3A_498 : vector<16x1xi32> to vector<16xi32>
        %gather3A_500 = tpu.dynamic_gather %add3A_497[%gather3A_499] in [0] : vector<16xf32>, vector<16xi32> -> vector<16xf32>
        %add3A_501 = arith.addf %add3A_497, %gather3A_500 : vector<16xf32>
        %exp3A = math.exp %add3A_501 : vector<16xf32>
        %broadcast_in_dim3A_502 = vector.shape_cast %xor3A_32 : vector<16xi32> to vector<16x1xi32>
        %gather3A_503 = vector.shape_cast %broadcast_in_dim3A_502 : vector<16x1xi32> to vector<16xi32>
        %gather3A_504 = tpu.dynamic_gather %add3A_486[%gather3A_503] in [0] : vector<16xf32>, vector<16xi32> -> vector<16xf32>
        %add3A_505 = arith.addf %add3A_486, %gather3A_504 : vector<16xf32>
        %broadcast_in_dim3A_506 = vector.shape_cast %xor3A_35 : vector<16xi32> to vector<16x1xi32>
        %gather3A_507 = vector.shape_cast %broadcast_in_dim3A_506 : vector<16x1xi32> to vector<16xi32>
        %gather3A_508 = tpu.dynamic_gather %add3A_505[%gather3A_507] in [0] : vector<16xf32>, vector<16xi32> -> vector<16xf32>
        %add3A_509 = arith.addf %add3A_505, %gather3A_508 : vector<16xf32>
        %broadcast_in_dim3A_510 = vector.shape_cast %xor3A_38 : vector<16xi32> to vector<16x1xi32>
        %gather3A_511 = vector.shape_cast %broadcast_in_dim3A_510 : vector<16x1xi32> to vector<16xi32>
        %gather3A_512 = tpu.dynamic_gather %add3A_509[%gather3A_511] in [0] : vector<16xf32>, vector<16xi32> -> vector<16xf32>
        %add3A_513 = arith.addf %add3A_509, %gather3A_512 : vector<16xf32>
        %broadcast_in_dim3A_514 = vector.shape_cast %xor3A_41 : vector<16xi32> to vector<16x1xi32>
        %gather3A_515 = vector.shape_cast %broadcast_in_dim3A_514 : vector<16x1xi32> to vector<16xi32>
        %gather3A_516 = tpu.dynamic_gather %add3A_513[%gather3A_515] in [0] : vector<16xf32>, vector<16xi32> -> vector<16xf32>
        %add3A_517 = arith.addf %add3A_513, %gather3A_516 : vector<16xf32>
        %exp3A_518 = math.exp %add3A_517 : vector<16xf32>
        %mul3A_519 = arith.mulf %get3A_341, %exp3A : vector<16xf32>
        %swap3A_520 = arith.index_cast %scan3A_334 : i32 to index
        %swap3A_521 = arith.constant 0 : index
        %swap3A_522 = tpu.vector_load %arg16[%swap3A_520, %swap3A_521] {strides = array<i32>} : memref<48x128xf32, #tpu.memory_space<vmem>>, vector<1x16xf32>,
        %swap3A_523 = vector.shape_cast %swap3A_522 : vector<1x16xf32> to vector<16xf32>
        %swap3A_524 = vector.shape_cast %mul3A_519 : vector<16xf32> to vector<1x16xf32>
        tpu.vector_store %arg16[%swap3A_520, %swap3A_521], %swap3A_524 {strides = array<i32>} : memref<48x128xf32, #tpu.memory_space<vmem>>, vector<1x16xf32>,
        %mul3A_525 = arith.mulf %get3A_347, %exp3A : vector<16xf32>
        %swap3A_526 = arith.index_cast %scan3A_334 : i32 to index
        %swap3A_527 = arith.constant 16 : index
        %swap3A_528 = tpu.vector_load %arg16[%swap3A_526, %swap3A_527] {strides = array<i32>} : memref<48x128xf32, #tpu.memory_space<vmem>>, vector<1x16xf32>,
        %swap3A_529 = vector.shape_cast %swap3A_528 : vector<1x16xf32> to vector<16xf32>
        %swap3A_530 = vector.shape_cast %mul3A_525 : vector<16xf32> to vector<1x16xf32>
        tpu.vector_store %arg16[%swap3A_526, %swap3A_527], %swap3A_530 {strides = array<i32>} : memref<48x128xf32, #tpu.memory_space<vmem>>, vector<1x16xf32>,
        %mul3A_531 = arith.mulf %get3A_353, %exp3A : vector<16xf32>
        %swap3A_532 = arith.index_cast %scan3A_334 : i32 to index
        %swap3A_533 = arith.constant 32 : index
        %swap3A_534 = tpu.vector_load %arg16[%swap3A_532, %swap3A_533] {strides = array<i32>} : memref<48x128xf32, #tpu.memory_space<vmem>>, vector<1x16xf32>,
        %swap3A_535 = vector.shape_cast %swap3A_534 : vector<1x16xf32> to vector<16xf32>
        %swap3A_536 = vector.shape_cast %mul3A_531 : vector<16xf32> to vector<1x16xf32>
        tpu.vector_store %arg16[%swap3A_532, %swap3A_533], %swap3A_536 {strides = array<i32>} : memref<48x128xf32, #tpu.memory_space<vmem>>, vector<1x16xf32>,
        %mul3A_537 = arith.mulf %get3A_359, %exp3A : vector<16xf32>
        %swap3A_538 = arith.index_cast %scan3A_334 : i32 to index
        %swap3A_539 = arith.constant 48 : index
        %swap3A_540 = tpu.vector_load %arg16[%swap3A_538, %swap3A_539] {strides = array<i32>} : memref<48x128xf32, #tpu.memory_space<vmem>>, vector<1x16xf32>,
        %swap3A_541 = vector.shape_cast %swap3A_540 : vector<1x16xf32> to vector<16xf32>
        %swap3A_542 = vector.shape_cast %mul3A_537 : vector<16xf32> to vector<1x16xf32>
        tpu.vector_store %arg16[%swap3A_538, %swap3A_539], %swap3A_542 {strides = array<i32>} : memref<48x128xf32, #tpu.memory_space<vmem>>, vector<1x16xf32>,
        %mul3A_543 = arith.mulf %get3A_365, %exp3A_518 : vector<16xf32>
        %swap3A_544 = arith.index_cast %scan3A_334 : i32 to index
        %swap3A_545 = arith.constant 64 : index
        %swap3A_546 = tpu.vector_load %arg16[%swap3A_544, %swap3A_545] {strides = array<i32>} : memref<48x128xf32, #tpu.memory_space<vmem>>, vector<1x16xf32>,
        %swap3A_547 = vector.shape_cast %swap3A_546 : vector<1x16xf32> to vector<16xf32>
        %swap3A_548 = vector.shape_cast %mul3A_543 : vector<16xf32> to vector<1x16xf32>
        tpu.vector_store %arg16[%swap3A_544, %swap3A_545], %swap3A_548 {strides = array<i32>} : memref<48x128xf32, #tpu.memory_space<vmem>>, vector<1x16xf32>,
        %mul3A_549 = arith.mulf %get3A_371, %exp3A_518 : vector<16xf32>
        %swap3A_550 = arith.index_cast %scan3A_334 : i32 to index
        %swap3A_551 = arith.constant 80 : index
        %swap3A_552 = tpu.vector_load %arg16[%swap3A_550, %swap3A_551] {strides = array<i32>} : memref<48x128xf32, #tpu.memory_space<vmem>>, vector<1x16xf32>,
        %swap3A_553 = vector.shape_cast %swap3A_552 : vector<1x16xf32> to vector<16xf32>
        %swap3A_554 = vector.shape_cast %mul3A_549 : vector<16xf32> to vector<1x16xf32>
        tpu.vector_store %arg16[%swap3A_550, %swap3A_551], %swap3A_554 {strides = array<i32>} : memref<48x128xf32, #tpu.memory_space<vmem>>, vector<1x16xf32>,
        %mul3A_555 = arith.mulf %get3A_377, %exp3A_518 : vector<16xf32>
        %swap3A_556 = arith.index_cast %scan3A_334 : i32 to index
        %swap3A_557 = arith.constant 96 : index
        %swap3A_558 = tpu.vector_load %arg16[%swap3A_556, %swap3A_557] {strides = array<i32>} : memref<48x128xf32, #tpu.memory_space<vmem>>, vector<1x16xf32>,
        %swap3A_559 = vector.shape_cast %swap3A_558 : vector<1x16xf32> to vector<16xf32>
        %swap3A_560 = vector.shape_cast %mul3A_555 : vector<16xf32> to vector<1x16xf32>
        tpu.vector_store %arg16[%swap3A_556, %swap3A_557], %swap3A_560 {strides = array<i32>} : memref<48x128xf32, #tpu.memory_space<vmem>>, vector<1x16xf32>,
        %mul3A_561 = arith.mulf %get3A_383, %exp3A_518 : vector<16xf32>
        %swap3A_562 = arith.index_cast %scan3A_334 : i32 to index
        %swap3A_563 = arith.constant 112 : index
        %swap3A_564 = tpu.vector_load %arg16[%swap3A_562, %swap3A_563] {strides = array<i32>} : memref<48x128xf32, #tpu.memory_space<vmem>>, vector<1x16xf32>,
        %swap3A_565 = vector.shape_cast %swap3A_564 : vector<1x16xf32> to vector<16xf32>
        %swap3A_566 = vector.shape_cast %mul3A_561 : vector<16xf32> to vector<1x16xf32>
        tpu.vector_store %arg16[%swap3A_562, %swap3A_563], %swap3A_566 {strides = array<i32>} : memref<48x128xf32, #tpu.memory_space<vmem>>, vector<1x16xf32>,
        %get3A_567 = arith.constant 0 : i32
        %get3A_568 = arith.index_cast %get3A_567 : i32 to index
        %get3A_569 = arith.index_cast %scan3A_334 : i32 to index
        %get3A_570 = tpu.vector_load %arg13[%get3A_568, %get3A_569] {strides = array<i32>} : memref<2x64xi32, #tpu.memory_space<vmem>>, vector<1x16xi32>,
        %get3A_571 = vector.shape_cast %get3A_570 : vector<1x16xi32> to vector<16xi32>
        %slice3A = vector.extract_strided_slice %get3A_571 {offsets = [0], sizes = [1], strides = [1]} : vector<16xi32> to vector<1xi32>
        %squeeze3A = vector.extract %slice3A[0] : i32 from vector<1xi32>
        %and3A = arith.constant 63 : i32
        %and3A_572 = arith.andi %squeeze3A, %and3A : i32
        %mul3A_573 = arith.constant 2 : i32
        %mul3A_574 = arith.muli %and3A_572, %mul3A_573 : i32
        %and3A_575 = arith.constant 15 : i32
        %and3A_576 = arith.andi %mul3A_574, %and3A_575 : i32
        %eq3A_577 = vector.broadcast %and3A_576 : i32 to vector<16xi32>
        %eq3A_578 = arith.cmpi eq, %iota3A, %eq3A_577 : vector<16xi32>
        %add3A_579 = arith.constant 1 : i32
        %add3A_580 = arith.addi %and3A_576, %add3A_579 : i32
        %eq3A_581 = vector.broadcast %add3A_580 : i32 to vector<16xi32>
        %eq3A_582 = arith.cmpi eq, %iota3A, %eq3A_581 : vector<16xi32>
        %select_n3A = arith.select %eq3A_582, %exp3A_518, %broadcast_in_dim3A_30 : vector<16xi1>, vector<16xf32>
        %select_n3A_583 = arith.select %eq3A_578, %exp3A, %select_n3A : vector<16xi1>, vector<16xf32>
        %swap3A_584 = arith.index_cast %scan3A_334 : i32 to index
        %swap3A_585 = arith.constant 0 : index
        %swap3A_586 = tpu.vector_load %arg17[%swap3A_584, %swap3A_585] {strides = array<i32>} : memref<48x128xf32, #tpu.memory_space<vmem>>, vector<1x16xf32>,
        %swap3A_587 = vector.shape_cast %swap3A_586 : vector<1x16xf32> to vector<16xf32>
        %swap3A_588 = vector.shape_cast %broadcast_in_dim3A_30 : vector<16xf32> to vector<1x16xf32>
        tpu.vector_store %arg17[%swap3A_584, %swap3A_585], %swap3A_588 {strides = array<i32>} : memref<48x128xf32, #tpu.memory_space<vmem>>, vector<1x16xf32>,
        %swap3A_589 = arith.index_cast %scan3A_334 : i32 to index
        %swap3A_590 = arith.constant 16 : index
        %swap3A_591 = tpu.vector_load %arg17[%swap3A_589, %swap3A_590] {strides = array<i32>} : memref<48x128xf32, #tpu.memory_space<vmem>>, vector<1x16xf32>,
        %swap3A_592 = vector.shape_cast %swap3A_591 : vector<1x16xf32> to vector<16xf32>
        %swap3A_593 = vector.shape_cast %broadcast_in_dim3A_30 : vector<16xf32> to vector<1x16xf32>
        tpu.vector_store %arg17[%swap3A_589, %swap3A_590], %swap3A_593 {strides = array<i32>} : memref<48x128xf32, #tpu.memory_space<vmem>>, vector<1x16xf32>,
        %swap3A_594 = arith.index_cast %scan3A_334 : i32 to index
        %swap3A_595 = arith.constant 32 : index
        %swap3A_596 = tpu.vector_load %arg17[%swap3A_594, %swap3A_595] {strides = array<i32>} : memref<48x128xf32, #tpu.memory_space<vmem>>, vector<1x16xf32>,
        %swap3A_597 = vector.shape_cast %swap3A_596 : vector<1x16xf32> to vector<16xf32>
        %swap3A_598 = vector.shape_cast %broadcast_in_dim3A_30 : vector<16xf32> to vector<1x16xf32>
        tpu.vector_store %arg17[%swap3A_594, %swap3A_595], %swap3A_598 {strides = array<i32>} : memref<48x128xf32, #tpu.memory_space<vmem>>, vector<1x16xf32>,
        %swap3A_599 = arith.index_cast %scan3A_334 : i32 to index
        %swap3A_600 = arith.constant 48 : index
        %swap3A_601 = tpu.vector_load %arg17[%swap3A_599, %swap3A_600] {strides = array<i32>} : memref<48x128xf32, #tpu.memory_space<vmem>>, vector<1x16xf32>,
        %swap3A_602 = vector.shape_cast %swap3A_601 : vector<1x16xf32> to vector<16xf32>
        %swap3A_603 = vector.shape_cast %broadcast_in_dim3A_30 : vector<16xf32> to vector<1x16xf32>
        tpu.vector_store %arg17[%swap3A_599, %swap3A_600], %swap3A_603 {strides = array<i32>} : memref<48x128xf32, #tpu.memory_space<vmem>>, vector<1x16xf32>,
        %swap3A_604 = arith.index_cast %scan3A_334 : i32 to index
        %swap3A_605 = arith.constant 64 : index
        %swap3A_606 = tpu.vector_load %arg17[%swap3A_604, %swap3A_605] {strides = array<i32>} : memref<48x128xf32, #tpu.memory_space<vmem>>, vector<1x16xf32>,
        %swap3A_607 = vector.shape_cast %swap3A_606 : vector<1x16xf32> to vector<16xf32>
        %swap3A_608 = vector.shape_cast %broadcast_in_dim3A_30 : vector<16xf32> to vector<1x16xf32>
        tpu.vector_store %arg17[%swap3A_604, %swap3A_605], %swap3A_608 {strides = array<i32>} : memref<48x128xf32, #tpu.memory_space<vmem>>, vector<1x16xf32>,
        %swap3A_609 = arith.index_cast %scan3A_334 : i32 to index
        %swap3A_610 = arith.constant 80 : index
        %swap3A_611 = tpu.vector_load %arg17[%swap3A_609, %swap3A_610] {strides = array<i32>} : memref<48x128xf32, #tpu.memory_space<vmem>>, vector<1x16xf32>,
        %swap3A_612 = vector.shape_cast %swap3A_611 : vector<1x16xf32> to vector<16xf32>
        %swap3A_613 = vector.shape_cast %broadcast_in_dim3A_30 : vector<16xf32> to vector<1x16xf32>
        tpu.vector_store %arg17[%swap3A_609, %swap3A_610], %swap3A_613 {strides = array<i32>} : memref<48x128xf32, #tpu.memory_space<vmem>>, vector<1x16xf32>,
        %swap3A_614 = arith.index_cast %scan3A_334 : i32 to index
        %swap3A_615 = arith.constant 96 : index
        %swap3A_616 = tpu.vector_load %arg17[%swap3A_614, %swap3A_615] {strides = array<i32>} : memref<48x128xf32, #tpu.memory_space<vmem>>, vector<1x16xf32>,
        %swap3A_617 = vector.shape_cast %swap3A_616 : vector<1x16xf32> to vector<16xf32>
        %swap3A_618 = vector.shape_cast %broadcast_in_dim3A_30 : vector<16xf32> to vector<1x16xf32>
        tpu.vector_store %arg17[%swap3A_614, %swap3A_615], %swap3A_618 {strides = array<i32>} : memref<48x128xf32, #tpu.memory_space<vmem>>, vector<1x16xf32>,
        %swap3A_619 = arith.index_cast %scan3A_334 : i32 to index
        %swap3A_620 = arith.constant 112 : index
        %swap3A_621 = tpu.vector_load %arg17[%swap3A_619, %swap3A_620] {strides = array<i32>} : memref<48x128xf32, #tpu.memory_space<vmem>>, vector<1x16xf32>,
        %swap3A_622 = vector.shape_cast %swap3A_621 : vector<1x16xf32> to vector<16xf32>
        %swap3A_623 = vector.shape_cast %broadcast_in_dim3A_30 : vector<16xf32> to vector<1x16xf32>
        tpu.vector_store %arg17[%swap3A_619, %swap3A_620], %swap3A_623 {strides = array<i32>} : memref<48x128xf32, #tpu.memory_space<vmem>>, vector<1x16xf32>,
        %shift_right_arithmetic3A_624 = arith.constant 4 : i32
        %shift_right_arithmetic3A_625 = arith.shrsi %mul3A_574, %shift_right_arithmetic3A_624 : i32
        %mul3A_626 = arith.constant 16 : i32
        %mul3A_627 = arith.muli %shift_right_arithmetic3A_625, %mul3A_626 : i32
        %swap3A_628 = arith.index_cast %scan3A_334 : i32 to index
        %swap3A_629 = arith.index_cast %mul3A_627 : i32 to index
        %swap3A_630 = tpu.vector_load %arg17[%swap3A_628, %swap3A_629] {strides = array<i32>} : memref<48x128xf32, #tpu.memory_space<vmem>>, vector<1x16xf32>,
        %swap3A_631 = vector.shape_cast %swap3A_630 : vector<1x16xf32> to vector<16xf32>
        %swap3A_632 = vector.shape_cast %select_n3A_583 : vector<16xf32> to vector<1x16xf32>
        tpu.vector_store %arg17[%swap3A_628, %swap3A_629], %swap3A_632 {strides = array<i32>} : memref<48x128xf32, #tpu.memory_space<vmem>>, vector<1x16xf32>,
        %scan3A_633 = arith.constant 0 : i32
        scf.yield %scan3A_633 : i32
      }
      %scan3A_188 = arith.constant 48 : i32
      %get3A_189 = arith.constant 0 : i32
      %get3A_190 = arith.index_cast %get3A_189 : i32 to index
      %get3A_191 = arith.constant 0 : index
      %get3A_192 = tpu.vector_load %arg13[%get3A_190, %get3A_191] {strides = array<i32>} : memref<2x64xi32, #tpu.memory_space<vmem>>, vector<1x16xi32>,
      %get3A_193 = vector.shape_cast %get3A_192 : vector<1x16xi32> to vector<16xi32>
      %shift_right_arithmetic3A = arith.constant 6 : i32
      %shift_right_arithmetic3A_194 = vector.broadcast %shift_right_arithmetic3A : i32 to vector<16xi32>
      %shift_right_arithmetic3A_195 = arith.shrsi %get3A_193, %shift_right_arithmetic3A_194 : vector<16xi32>
      %swap3A = arith.constant 0 : index
      %swap3A_196 = tpu.vector_load %arg18[%swap3A] {strides = array<i32>} : memref<48xi32, #tpu.memory_space<vmem>>, vector<16xi32>,
      %swap3A_197 = vector.shape_cast %swap3A_196 : vector<16xi32> to vector<16xi32>
      %swap3A_198 = vector.shape_cast %shift_right_arithmetic3A_195 : vector<16xi32> to vector<16xi32>
      tpu.vector_store %arg18[%swap3A], %swap3A_198 {strides = array<i32>} : memref<48xi32, #tpu.memory_space<vmem>>, vector<16xi32>,
      %get3A_199 = arith.constant 0 : i32
      %get3A_200 = arith.index_cast %get3A_199 : i32 to index
      %get3A_201 = arith.constant 16 : index
      %get3A_202 = tpu.vector_load %arg13[%get3A_200, %get3A_201] {strides = array<i32>} : memref<2x64xi32, #tpu.memory_space<vmem>>, vector<1x16xi32>,
      %get3A_203 = vector.shape_cast %get3A_202 : vector<1x16xi32> to vector<16xi32>
      %shift_right_arithmetic3A_204 = arith.constant 6 : i32
      %shift_right_arithmetic3A_205 = vector.broadcast %shift_right_arithmetic3A_204 : i32 to vector<16xi32>
      %shift_right_arithmetic3A_206 = arith.shrsi %get3A_203, %shift_right_arithmetic3A_205 : vector<16xi32>
      %swap3A_207 = arith.constant 16 : index
      %swap3A_208 = tpu.vector_load %arg18[%swap3A_207] {strides = array<i32>} : memref<48xi32, #tpu.memory_space<vmem>>, vector<16xi32>,
      %swap3A_209 = vector.shape_cast %swap3A_208 : vector<16xi32> to vector<16xi32>
      %swap3A_210 = vector.shape_cast %shift_right_arithmetic3A_206 : vector<16xi32> to vector<16xi32>
      tpu.vector_store %arg18[%swap3A_207], %swap3A_210 {strides = array<i32>} : memref<48xi32, #tpu.memory_space<vmem>>, vector<16xi32>,
      %get3A_211 = arith.constant 0 : i32
      %get3A_212 = arith.index_cast %get3A_211 : i32 to index
      %get3A_213 = arith.constant 32 : index
      %get3A_214 = tpu.vector_load %arg13[%get3A_212, %get3A_213] {strides = array<i32>} : memref<2x64xi32, #tpu.memory_space<vmem>>, vector<1x16xi32>,
      %get3A_215 = vector.shape_cast %get3A_214 : vector<1x16xi32> to vector<16xi32>
      %shift_right_arithmetic3A_216 = arith.constant 6 : i32
      %shift_right_arithmetic3A_217 = vector.broadcast %shift_right_arithmetic3A_216 : i32 to vector<16xi32>
      %shift_right_arithmetic3A_218 = arith.shrsi %get3A_215, %shift_right_arithmetic3A_217 : vector<16xi32>
      %swap3A_219 = arith.constant 32 : index
      %swap3A_220 = tpu.vector_load %arg18[%swap3A_219] {strides = array<i32>} : memref<48xi32, #tpu.memory_space<vmem>>, vector<16xi32>,
      %swap3A_221 = vector.shape_cast %swap3A_220 : vector<16xi32> to vector<16xi32>
      %swap3A_222 = vector.shape_cast %shift_right_arithmetic3A_218 : vector<16xi32> to vector<16xi32>
      tpu.vector_store %arg18[%swap3A_219], %swap3A_222 {strides = array<i32>} : memref<48xi32, #tpu.memory_space<vmem>>, vector<16xi32>,
      %run_scoped3A_223 = arith.constant 0 : i32
      "tpu.region"() ({
        %run_scoped3A_334 = tpu.sem_alloc : memref<!tpu.dma_semaphore, #tpu.memory_space<semaphore_mem>>
        %dma_start3A_335 = arith.constant 0 : i32
        %dma_start3A_336 = tpu.memref_slice %arg13[%run_scoped3A_223, %dma_start3A_335] : memref<2x64xi32, #tpu.memory_space<vmem>> -> memref<1x64xi32, #tpu.memory_space<vmem>>
        %dma_start3A_337 = tpu.memref_squeeze %dma_start3A_336 : memref<1x64xi32, #tpu.memory_space<vmem>> -> memref<64xi32, #tpu.memory_space<vmem>>
        %dma_start3A_338 = arith.constant 0 : i32
        %dma_start3A_339 = tpu.memref_slice %dma_start3A_337[%dma_start3A_338] : memref<64xi32, #tpu.memory_space<vmem>> -> memref<48xi32, #tpu.memory_space<vmem>>
        %dma_start3A_340 = arith.constant 0 : i32
        %dma_start3A_341 = arith.constant 0 : i32
        %dma_start3A_342 = tpu.memref_slice %arg10[%dma_start3A_340, %dma_start3A_341] : memref<10112x128xf32, #tpu.memory_space<vmem_shared>> -> memref<10112x128xf32, #tpu.memory_space<vmem_shared>>
        tpu.enqueue_indirect_dma source(%arg16 : memref<48x128xf32, #tpu.memory_space<vmem>>) target(%dma_start3A_342 : memref<10112x128xf32, #tpu.memory_space<vmem_shared>>) offsets(%dma_start3A_339 : memref<48xi32, #tpu.memory_space<vmem>>) semaphore(%run_scoped3A_334 : memref<!tpu.dma_semaphore, #tpu.memory_space<semaphore_mem>>) {add = true}
        %dma_wait3A_343 = arith.constant 0 : i32
        %dma_wait3A_344 = tpu.memref_slice %arg13[%run_scoped3A_223, %dma_wait3A_343] : memref<2x64xi32, #tpu.memory_space<vmem>> -> memref<1x64xi32, #tpu.memory_space<vmem>>
        %dma_wait3A_345 = tpu.memref_squeeze %dma_wait3A_344 : memref<1x64xi32, #tpu.memory_space<vmem>> -> memref<64xi32, #tpu.memory_space<vmem>>
        %dma_wait3A_346 = arith.constant 0 : i32
        %dma_wait3A_347 = tpu.memref_slice %dma_wait3A_345[%dma_wait3A_346] : memref<64xi32, #tpu.memory_space<vmem>> -> memref<48xi32, #tpu.memory_space<vmem>>
        %dma_wait3A_348 = arith.constant 0 : i32
        %dma_wait3A_349 = arith.constant 0 : i32
        %dma_wait3A_350 = tpu.memref_slice %arg10[%dma_wait3A_348, %dma_wait3A_349] : memref<10112x128xf32, #tpu.memory_space<vmem_shared>> -> memref<10112x128xf32, #tpu.memory_space<vmem_shared>>
        tpu.wait_indirect_dma semaphore(%run_scoped3A_334 : memref<!tpu.dma_semaphore, #tpu.memory_space<semaphore_mem>>) src(%arg16 : memref<48x128xf32, #tpu.memory_space<vmem>>) dst(%dma_wait3A_350 : memref<10112x128xf32, #tpu.memory_space<vmem_shared>>)
        tpu.yield
      }) : () -> ()
      "tpu.region"() ({
        %run_scoped3A_334 = tpu.sem_alloc : memref<!tpu.dma_semaphore, #tpu.memory_space<semaphore_mem>>
        %dma_start3A_335 = arith.constant 0 : i32
        %dma_start3A_336 = arith.constant 0 : i32
        %dma_start3A_337 = tpu.memref_slice %arg11[%dma_start3A_335, %dma_start3A_336] : memref<160x128xf32, #tpu.memory_space<vmem_shared>> -> memref<160x128xf32, #tpu.memory_space<vmem_shared>>
        tpu.enqueue_indirect_dma source(%arg17 : memref<48x128xf32, #tpu.memory_space<vmem>>) target(%dma_start3A_337 : memref<160x128xf32, #tpu.memory_space<vmem_shared>>) offsets(%arg18 : memref<48xi32, #tpu.memory_space<vmem>>) semaphore(%run_scoped3A_334 : memref<!tpu.dma_semaphore, #tpu.memory_space<semaphore_mem>>) {add = true}
        %dma_wait3A_338 = arith.constant 0 : i32
        %dma_wait3A_339 = arith.constant 0 : i32
        %dma_wait3A_340 = tpu.memref_slice %arg11[%dma_wait3A_338, %dma_wait3A_339] : memref<160x128xf32, #tpu.memory_space<vmem_shared>> -> memref<160x128xf32, #tpu.memory_space<vmem_shared>>
        tpu.wait_indirect_dma semaphore(%run_scoped3A_334 : memref<!tpu.dma_semaphore, #tpu.memory_space<semaphore_mem>>) src(%arg17 : memref<48x128xf32, #tpu.memory_space<vmem>>) dst(%dma_wait3A_340 : memref<160x128xf32, #tpu.memory_space<vmem_shared>>)
        tpu.yield
      }) : () -> ()
      %mul3A_224 = arith.constant 2 : i32
      %mul3A_225 = arith.muli %mul3A_224, %scan3A_117 : i32
      %add3A_226 = arith.constant 1 : i32
      %add3A_227 = arith.addi %mul3A_225, %add3A_226 : i32
      %dma_wait3A_228 = arith.constant 1 : i32
      %dma_wait3A_229 = arith.constant 1 : i32
      %dma_wait3A_230 = arith.constant 0 : i32
      %dma_wait3A_231 = arith.constant 0 : i32
      %dma_wait3A_232 = tpu.memref_slice %arg14[%dma_wait3A_229, %dma_wait3A_230, %dma_wait3A_231] : memref<2x48x128xf32, #tpu.memory_space<vmem>> -> memref<1x48x128xf32, #tpu.memory_space<vmem>>
      %dma_wait3A_233 = tpu.memref_squeeze %dma_wait3A_232 : memref<1x48x128xf32, #tpu.memory_space<vmem>> -> memref<48x128xf32, #tpu.memory_space<vmem>>
      %dma_wait3A_234 = arith.constant 0 : i32
      %dma_wait3A_235 = tpu.memref_slice %arg12[%dma_wait3A_228, %dma_wait3A_234] : memref<2x48xi32, #tpu.memory_space<vmem>> -> memref<1x48xi32, #tpu.memory_space<vmem>>
      %dma_wait3A_236 = tpu.memref_squeeze %dma_wait3A_235 : memref<1x48xi32, #tpu.memory_space<vmem>> -> memref<48xi32, #tpu.memory_space<vmem>>
      %dma_wait3A_237 = arith.constant 0 : i32
      %dma_wait3A_238 = arith.constant 0 : i32
      %dma_wait3A_239 = tpu.memref_slice %arg2[%dma_wait3A_237, %dma_wait3A_238] : memref<10112x128xf32, #tpu.memory_space<hbm>> -> memref<10112x128xf32, #tpu.memory_space<hbm>>
      tpu.wait_indirect_dma semaphore(%arg21 : memref<!tpu.dma_semaphore, #tpu.memory_space<semaphore_mem>>) src(%dma_wait3A_239 : memref<10112x128xf32, #tpu.memory_space<hbm>>) dst(%dma_wait3A_233 : memref<48x128xf32, #tpu.memory_space<vmem>>)
      %dma_wait3A_240 = arith.constant 1 : i32
      %dma_wait3A_241 = arith.constant 1 : i32
      %dma_wait3A_242 = arith.constant 0 : i32
      %dma_wait3A_243 = arith.constant 0 : i32
      %dma_wait3A_244 = tpu.memref_slice %arg15[%dma_wait3A_241, %dma_wait3A_242, %dma_wait3A_243] : memref<2x48x128xf32, #tpu.memory_space<vmem>> -> memref<1x48x128xf32, #tpu.memory_space<vmem>>
      %dma_wait3A_245 = tpu.memref_squeeze %dma_wait3A_244 : memref<1x48x128xf32, #tpu.memory_space<vmem>> -> memref<48x128xf32, #tpu.memory_space<vmem>>
      %dma_wait3A_246 = arith.constant 0 : i32
      %dma_wait3A_247 = tpu.memref_slice %arg12[%dma_wait3A_240, %dma_wait3A_246] : memref<2x48xi32, #tpu.memory_space<vmem>> -> memref<1x48xi32, #tpu.memory_space<vmem>>
      %dma_wait3A_248 = tpu.memref_squeeze %dma_wait3A_247 : memref<1x48xi32, #tpu.memory_space<vmem>> -> memref<48xi32, #tpu.memory_space<vmem>>
      %dma_wait3A_249 = arith.constant 0 : i32
      %dma_wait3A_250 = arith.constant 0 : i32
      %dma_wait3A_251 = tpu.memref_slice %arg2[%dma_wait3A_249, %dma_wait3A_250] : memref<10112x128xf32, #tpu.memory_space<hbm>> -> memref<10112x128xf32, #tpu.memory_space<hbm>>
      tpu.wait_indirect_dma semaphore(%arg23 : memref<!tpu.dma_semaphore, #tpu.memory_space<semaphore_mem>>) src(%dma_wait3A_251 : memref<10112x128xf32, #tpu.memory_space<hbm>>) dst(%dma_wait3A_245 : memref<48x128xf32, #tpu.memory_space<vmem>>)
      %add3A_252 = arith.constant 1 : i32
      %add3A_253 = arith.addi %add3A_227, %add3A_252 : i32
      %mul3A_254 = arith.constant 10368 : i32
      %mul3A_255 = arith.muli %add3A, %mul3A_254 : i32
      %min3A_256 = arith.constant 215 : i32
      %min3A_257 = arith.minsi %add3A_253, %min3A_256 : i32
      %mul3A_258 = arith.constant 48 : i32
      %mul3A_259 = arith.muli %min3A_257, %mul3A_258 : i32
      %add3A_260 = arith.addi %mul3A_255, %mul3A_259 : i32
      %run_scoped3A_261 = arith.constant 0 : i32
      "tpu.region"() ({
        %run_scoped3A_334 = tpu.sem_alloc : memref<!tpu.dma_semaphore, #tpu.memory_space<semaphore_mem>>
        %dma_start3A_335 = arith.constant 0 : i32
        %dma_start3A_336 = tpu.memref_slice %arg12[%run_scoped3A_261, %dma_start3A_335] : memref<2x48xi32, #tpu.memory_space<vmem>> -> memref<1x48xi32, #tpu.memory_space<vmem>>
        %dma_start3A_337 = tpu.memref_squeeze %dma_start3A_336 : memref<1x48xi32, #tpu.memory_space<vmem>> -> memref<48xi32, #tpu.memory_space<vmem>>
        %dma_start3A_338 = tpu.memref_slice %arg4[%add3A_260] : memref<331776xi32, #tpu.memory_space<hbm>> -> memref<48xi32, #tpu.memory_space<hbm>>
        %dma_start3A_339 = arith.constant 0 : i32
        %dma_start3A_340 = tpu.memref_slice %arg12[%run_scoped3A_261, %dma_start3A_339] : memref<2x48xi32, #tpu.memory_space<vmem>> -> memref<1x48xi32, #tpu.memory_space<vmem>>
        %dma_start3A_341 = tpu.memref_squeeze %dma_start3A_340 : memref<1x48xi32, #tpu.memory_space<vmem>> -> memref<48xi32, #tpu.memory_space<vmem>>
        %dma_start3A_342 = tpu.memref_slice %arg4[%add3A_260] : memref<331776xi32, #tpu.memory_space<hbm>> -> memref<48xi32, #tpu.memory_space<hbm>>
        tpu.enqueue_dma source(%dma_start3A_342 : memref<48xi32, #tpu.memory_space<hbm>>) target(%dma_start3A_341 : memref<48xi32, #tpu.memory_space<vmem>>) target_semaphore(%run_scoped3A_334 : memref<!tpu.dma_semaphore, #tpu.memory_space<semaphore_mem>>)
        %dma_wait3A_343 = arith.constant 0 : i32
        %dma_wait3A_344 = tpu.memref_slice %arg12[%run_scoped3A_261, %dma_wait3A_343] : memref<2x48xi32, #tpu.memory_space<vmem>> -> memref<1x48xi32, #tpu.memory_space<vmem>>
        %dma_wait3A_345 = tpu.memref_squeeze %dma_wait3A_344 : memref<1x48xi32, #tpu.memory_space<vmem>> -> memref<48xi32, #tpu.memory_space<vmem>>
        %dma_wait3A_346 = tpu.memref_slice %arg4[%add3A_260] : memref<331776xi32, #tpu.memory_space<hbm>> -> memref<48xi32, #tpu.memory_space<hbm>>
        %dma_wait3A_347 = arith.constant 0 : i32
        %dma_wait3A_348 = tpu.memref_slice %arg12[%run_scoped3A_261, %dma_wait3A_347] : memref<2x48xi32, #tpu.memory_space<vmem>> -> memref<1x48xi32, #tpu.memory_space<vmem>>
        %dma_wait3A_349 = tpu.memref_squeeze %dma_wait3A_348 : memref<1x48xi32, #tpu.memory_space<vmem>> -> memref<48xi32, #tpu.memory_space<vmem>>
        %dma_wait3A_350 = tpu.memref_slice %arg4[%add3A_260] : memref<331776xi32, #tpu.memory_space<hbm>> -> memref<48xi32, #tpu.memory_space<hbm>>
        tpu.wait_dma2 semaphore(%run_scoped3A_334 : memref<!tpu.dma_semaphore, #tpu.memory_space<semaphore_mem>>) src(%dma_wait3A_350 : memref<48xi32, #tpu.memory_space<hbm>>) dst(%dma_wait3A_349 : memref<48xi32, #tpu.memory_space<vmem>>)
        tpu.yield
      }) : () -> ()
      %run_scoped3A_262 = arith.constant 0 : i32
      "tpu.region"() ({
        %run_scoped3A_334 = tpu.sem_alloc : memref<!tpu.dma_semaphore, #tpu.memory_space<semaphore_mem>>
        %dma_start3A_335 = arith.constant 0 : i32
        %dma_start3A_336 = tpu.memref_slice %arg13[%run_scoped3A_262, %dma_start3A_335] : memref<2x64xi32, #tpu.memory_space<vmem>> -> memref<1x64xi32, #tpu.memory_space<vmem>>
        %dma_start3A_337 = tpu.memref_squeeze %dma_start3A_336 : memref<1x64xi32, #tpu.memory_space<vmem>> -> memref<64xi32, #tpu.memory_space<vmem>>
        %dma_start3A_338 = arith.constant 0 : i32
        %dma_start3A_339 = tpu.memref_slice %dma_start3A_337[%dma_start3A_338] : memref<64xi32, #tpu.memory_space<vmem>> -> memref<48xi32, #tpu.memory_space<vmem>>
        %dma_start3A_340 = tpu.memref_slice %arg5[%add3A_260] : memref<331776xi32, #tpu.memory_space<hbm>> -> memref<48xi32, #tpu.memory_space<hbm>>
        %dma_start3A_341 = arith.constant 0 : i32
        %dma_start3A_342 = tpu.memref_slice %arg13[%run_scoped3A_262, %dma_start3A_341] : memref<2x64xi32, #tpu.memory_space<vmem>> -> memref<1x64xi32, #tpu.memory_space<vmem>>
        %dma_start3A_343 = tpu.memref_squeeze %dma_start3A_342 : memref<1x64xi32, #tpu.memory_space<vmem>> -> memref<64xi32, #tpu.memory_space<vmem>>
        %dma_start3A_344 = arith.constant 0 : i32
        %dma_start3A_345 = tpu.memref_slice %dma_start3A_343[%dma_start3A_344] : memref<64xi32, #tpu.memory_space<vmem>> -> memref<48xi32, #tpu.memory_space<vmem>>
        %dma_start3A_346 = tpu.memref_slice %arg5[%add3A_260] : memref<331776xi32, #tpu.memory_space<hbm>> -> memref<48xi32, #tpu.memory_space<hbm>>
        tpu.enqueue_dma source(%dma_start3A_346 : memref<48xi32, #tpu.memory_space<hbm>>) target(%dma_start3A_345 : memref<48xi32, #tpu.memory_space<vmem>>) target_semaphore(%run_scoped3A_334 : memref<!tpu.dma_semaphore, #tpu.memory_space<semaphore_mem>>)
        %dma_wait3A_347 = arith.constant 0 : i32
        %dma_wait3A_348 = tpu.memref_slice %arg13[%run_scoped3A_262, %dma_wait3A_347] : memref<2x64xi32, #tpu.memory_space<vmem>> -> memref<1x64xi32, #tpu.memory_space<vmem>>
        %dma_wait3A_349 = tpu.memref_squeeze %dma_wait3A_348 : memref<1x64xi32, #tpu.memory_space<vmem>> -> memref<64xi32, #tpu.memory_space<vmem>>
        %dma_wait3A_350 = arith.constant 0 : i32
        %dma_wait3A_351 = tpu.memref_slice %dma_wait3A_349[%dma_wait3A_350] : memref<64xi32, #tpu.memory_space<vmem>> -> memref<48xi32, #tpu.memory_space<vmem>>
        %dma_wait3A_352 = tpu.memref_slice %arg5[%add3A_260] : memref<331776xi32, #tpu.memory_space<hbm>> -> memref<48xi32, #tpu.memory_space<hbm>>
        %dma_wait3A_353 = arith.constant 0 : i32
        %dma_wait3A_354 = tpu.memref_slice %arg13[%run_scoped3A_262, %dma_wait3A_353] : memref<2x64xi32, #tpu.memory_space<vmem>> -> memref<1x64xi32, #tpu.memory_space<vmem>>
        %dma_wait3A_355 = tpu.memref_squeeze %dma_wait3A_354 : memref<1x64xi32, #tpu.memory_space<vmem>> -> memref<64xi32, #tpu.memory_space<vmem>>
        %dma_wait3A_356 = arith.constant 0 : i32
        %dma_wait3A_357 = tpu.memref_slice %dma_wait3A_355[%dma_wait3A_356] : memref<64xi32, #tpu.memory_space<vmem>> -> memref<48xi32, #tpu.memory_space<vmem>>
        %dma_wait3A_358 = tpu.memref_slice %arg5[%add3A_260] : memref<331776xi32, #tpu.memory_space<hbm>> -> memref<48xi32, #tpu.memory_space<hbm>>
        tpu.wait_dma2 semaphore(%run_scoped3A_334 : memref<!tpu.dma_semaphore, #tpu.memory_space<semaphore_mem>>) src(%dma_wait3A_358 : memref<48xi32, #tpu.memory_space<hbm>>) dst(%dma_wait3A_357 : memref<48xi32, #tpu.memory_space<vmem>>)
        tpu.yield
      }) : () -> ()
      %dma_start3A_263 = arith.constant 0 : i32
      %dma_start3A_264 = arith.constant 0 : i32
      %dma_start3A_265 = arith.constant 0 : i32
      %dma_start3A_266 = arith.constant 0 : i32
      %dma_start3A_267 = tpu.memref_slice %arg14[%dma_start3A_264, %dma_start3A_265, %dma_start3A_266] : memref<2x48x128xf32, #tpu.memory_space<vmem>> -> memref<1x48x128xf32, #tpu.memory_space<vmem>>
      %dma_start3A_268 = tpu.memref_squeeze %dma_start3A_267 : memref<1x48x128xf32, #tpu.memory_space<vmem>> -> memref<48x128xf32, #tpu.memory_space<vmem>>
      %dma_start3A_269 = arith.constant 0 : i32
      %dma_start3A_270 = tpu.memref_slice %arg12[%dma_start3A_263, %dma_start3A_269] : memref<2x48xi32, #tpu.memory_space<vmem>> -> memref<1x48xi32, #tpu.memory_space<vmem>>
      %dma_start3A_271 = tpu.memref_squeeze %dma_start3A_270 : memref<1x48xi32, #tpu.memory_space<vmem>> -> memref<48xi32, #tpu.memory_space<vmem>>
      %dma_start3A_272 = arith.constant 0 : i32
      %dma_start3A_273 = arith.constant 0 : i32
      %dma_start3A_274 = tpu.memref_slice %arg2[%dma_start3A_272, %dma_start3A_273] : memref<10112x128xf32, #tpu.memory_space<hbm>> -> memref<10112x128xf32, #tpu.memory_space<hbm>>
      tpu.enqueue_indirect_dma source(%dma_start3A_274 : memref<10112x128xf32, #tpu.memory_space<hbm>>) target(%dma_start3A_268 : memref<48x128xf32, #tpu.memory_space<vmem>>) offsets(%dma_start3A_271 : memref<48xi32, #tpu.memory_space<vmem>>) semaphore(%arg20 : memref<!tpu.dma_semaphore, #tpu.memory_space<semaphore_mem>>)
      %dma_start3A_275 = arith.constant 0 : i32
      %dma_start3A_276 = arith.constant 0 : i32
      %dma_start3A_277 = arith.constant 0 : i32
      %dma_start3A_278 = arith.constant 0 : i32
      %dma_start3A_279 = tpu.memref_slice %arg15[%dma_start3A_276, %dma_start3A_277, %dma_start3A_278] : memref<2x48x128xf32, #tpu.memory_space<vmem>> -> memref<1x48x128xf32, #tpu.memory_space<vmem>>
      %dma_start3A_280 = tpu.memref_squeeze %dma_start3A_279 : memref<1x48x128xf32, #tpu.memory_space<vmem>> -> memref<48x128xf32, #tpu.memory_space<vmem>>
      %dma_start3A_281 = arith.constant 0 : i32
      %dma_start3A_282 = tpu.memref_slice %arg13[%dma_start3A_275, %dma_start3A_281] : memref<2x64xi32, #tpu.memory_space<vmem>> -> memref<1x64xi32, #tpu.memory_space<vmem>>
      %dma_start3A_283 = tpu.memref_squeeze %dma_start3A_282 : memref<1x64xi32, #tpu.memory_space<vmem>> -> memref<64xi32, #tpu.memory_space<vmem>>
      %dma_start3A_284 = arith.constant 0 : i32
      %dma_start3A_285 = tpu.memref_slice %dma_start3A_283[%dma_start3A_284] : memref<64xi32, #tpu.memory_space<vmem>> -> memref<48xi32, #tpu.memory_space<vmem>>
      %dma_start3A_286 = arith.constant 0 : i32
      %dma_start3A_287 = arith.constant 0 : i32
      %dma_start3A_288 = tpu.memref_slice %arg3[%dma_start3A_286, %dma_start3A_287] : memref<10112x128xf32, #tpu.memory_space<hbm>> -> memref<10112x128xf32, #tpu.memory_space<hbm>>
      tpu.enqueue_indirect_dma source(%dma_start3A_288 : memref<10112x128xf32, #tpu.memory_space<hbm>>) target(%dma_start3A_280 : memref<48x128xf32, #tpu.memory_space<vmem>>) offsets(%dma_start3A_285 : memref<48xi32, #tpu.memory_space<vmem>>) semaphore(%arg22 : memref<!tpu.dma_semaphore, #tpu.memory_space<semaphore_mem>>)
      %scan3A_289 = arith.constant 0 : i32
      %scan3A_290 = arith.constant 0 : i32
      %scan3A_291 = arith.constant 48 : i32
      %scan3A_292 = arith.addi %scan3A_290, %scan3A_291 : i32
      %scan3A_293 = arith.constant 1 : i32
      %scan3A_294 = scf.for %scan3A_334 = %scan3A_290 to %scan3A_292 step %scan3A_293 iter_args(%scan3A_335 = %scan3A_289) -> (i32)  : i32 {
        %get3A_336 = arith.constant 1 : i32
        %get3A_337 = arith.index_cast %get3A_336 : i32 to index
        %get3A_338 = arith.index_cast %scan3A_334 : i32 to index
        %get3A_339 = arith.constant 0 : index
        %get3A_340 = tpu.vector_load %arg14[%get3A_337, %get3A_338, %get3A_339] {strides = array<i32>} : memref<2x48x128xf32, #tpu.memory_space<vmem>>, vector<1x1x16xf32>,
        %get3A_341 = vector.shape_cast %get3A_340 : vector<1x1x16xf32> to vector<16xf32>
        %get3A_342 = arith.constant 1 : i32
        %get3A_343 = arith.index_cast %get3A_342 : i32 to index
        %get3A_344 = arith.index_cast %scan3A_334 : i32 to index
        %get3A_345 = arith.constant 16 : index
        %get3A_346 = tpu.vector_load %arg14[%get3A_343, %get3A_344, %get3A_345] {strides = array<i32>} : memref<2x48x128xf32, #tpu.memory_space<vmem>>, vector<1x1x16xf32>,
        %get3A_347 = vector.shape_cast %get3A_346 : vector<1x1x16xf32> to vector<16xf32>
        %get3A_348 = arith.constant 1 : i32
        %get3A_349 = arith.index_cast %get3A_348 : i32 to index
        %get3A_350 = arith.index_cast %scan3A_334 : i32 to index
        %get3A_351 = arith.constant 32 : index
        %get3A_352 = tpu.vector_load %arg14[%get3A_349, %get3A_350, %get3A_351] {strides = array<i32>} : memref<2x48x128xf32, #tpu.memory_space<vmem>>, vector<1x1x16xf32>,
        %get3A_353 = vector.shape_cast %get3A_352 : vector<1x1x16xf32> to vector<16xf32>
        %get3A_354 = arith.constant 1 : i32
        %get3A_355 = arith.index_cast %get3A_354 : i32 to index
        %get3A_356 = arith.index_cast %scan3A_334 : i32 to index
        %get3A_357 = arith.constant 48 : index
        %get3A_358 = tpu.vector_load %arg14[%get3A_355, %get3A_356, %get3A_357] {strides = array<i32>} : memref<2x48x128xf32, #tpu.memory_space<vmem>>, vector<1x1x16xf32>,
        %get3A_359 = vector.shape_cast %get3A_358 : vector<1x1x16xf32> to vector<16xf32>
        %get3A_360 = arith.constant 1 : i32
        %get3A_361 = arith.index_cast %get3A_360 : i32 to index
        %get3A_362 = arith.index_cast %scan3A_334 : i32 to index
        %get3A_363 = arith.constant 64 : index
        %get3A_364 = tpu.vector_load %arg14[%get3A_361, %get3A_362, %get3A_363] {strides = array<i32>} : memref<2x48x128xf32, #tpu.memory_space<vmem>>, vector<1x1x16xf32>,
        %get3A_365 = vector.shape_cast %get3A_364 : vector<1x1x16xf32> to vector<16xf32>
        %get3A_366 = arith.constant 1 : i32
        %get3A_367 = arith.index_cast %get3A_366 : i32 to index
        %get3A_368 = arith.index_cast %scan3A_334 : i32 to index
        %get3A_369 = arith.constant 80 : index
        %get3A_370 = tpu.vector_load %arg14[%get3A_367, %get3A_368, %get3A_369] {strides = array<i32>} : memref<2x48x128xf32, #tpu.memory_space<vmem>>, vector<1x1x16xf32>,
        %get3A_371 = vector.shape_cast %get3A_370 : vector<1x1x16xf32> to vector<16xf32>
        %get3A_372 = arith.constant 1 : i32
        %get3A_373 = arith.index_cast %get3A_372 : i32 to index
        %get3A_374 = arith.index_cast %scan3A_334 : i32 to index
        %get3A_375 = arith.constant 96 : index
        %get3A_376 = tpu.vector_load %arg14[%get3A_373, %get3A_374, %get3A_375] {strides = array<i32>} : memref<2x48x128xf32, #tpu.memory_space<vmem>>, vector<1x1x16xf32>,
        %get3A_377 = vector.shape_cast %get3A_376 : vector<1x1x16xf32> to vector<16xf32>
        %get3A_378 = arith.constant 1 : i32
        %get3A_379 = arith.index_cast %get3A_378 : i32 to index
        %get3A_380 = arith.index_cast %scan3A_334 : i32 to index
        %get3A_381 = arith.constant 112 : index
        %get3A_382 = tpu.vector_load %arg14[%get3A_379, %get3A_380, %get3A_381] {strides = array<i32>} : memref<2x48x128xf32, #tpu.memory_space<vmem>>, vector<1x1x16xf32>,
        %get3A_383 = vector.shape_cast %get3A_382 : vector<1x1x16xf32> to vector<16xf32>
        %get3A_384 = arith.constant 1 : i32
        %get3A_385 = arith.index_cast %get3A_384 : i32 to index
        %get3A_386 = arith.index_cast %scan3A_334 : i32 to index
        %get3A_387 = arith.constant 0 : index
        %get3A_388 = tpu.vector_load %arg15[%get3A_385, %get3A_386, %get3A_387] {strides = array<i32>} : memref<2x48x128xf32, #tpu.memory_space<vmem>>, vector<1x1x16xf32>,
        %get3A_389 = vector.shape_cast %get3A_388 : vector<1x1x16xf32> to vector<16xf32>
        %add3A_390 = arith.addf %get3A_341, %get3A_389 : vector<16xf32>
        %mul3A_391 = arith.constant 2.000000e-01 : f32
        %mul3A_392 = vector.broadcast %mul3A_391 : f32 to vector<16xf32>
        %mul3A_393 = arith.mulf %mul3A_392, %add3A_390 : vector<16xf32>
        %max3A = arith.maximumf %add3A_390, %mul3A_393 : vector<16xf32>
        %mul3A_394 = arith.mulf %max3A, %get3A_8 : vector<16xf32>
        %add3A_395 = arith.addf %broadcast_in_dim3A_30, %mul3A_394 : vector<16xf32>
        %get3A_396 = arith.constant 1 : i32
        %get3A_397 = arith.index_cast %get3A_396 : i32 to index
        %get3A_398 = arith.index_cast %scan3A_334 : i32 to index
        %get3A_399 = arith.constant 16 : index
        %get3A_400 = tpu.vector_load %arg15[%get3A_397, %get3A_398, %get3A_399] {strides = array<i32>} : memref<2x48x128xf32, #tpu.memory_space<vmem>>, vector<1x1x16xf32>,
        %get3A_401 = vector.shape_cast %get3A_400 : vector<1x1x16xf32> to vector<16xf32>
        %add3A_402 = arith.addf %get3A_347, %get3A_401 : vector<16xf32>
        %mul3A_403 = arith.constant 2.000000e-01 : f32
        %mul3A_404 = vector.broadcast %mul3A_403 : f32 to vector<16xf32>
        %mul3A_405 = arith.mulf %mul3A_404, %add3A_402 : vector<16xf32>
        %max3A_406 = arith.maximumf %add3A_402, %mul3A_405 : vector<16xf32>
        %mul3A_407 = arith.mulf %max3A_406, %get3A_11 : vector<16xf32>
        %add3A_408 = arith.addf %add3A_395, %mul3A_407 : vector<16xf32>
        %get3A_409 = arith.constant 1 : i32
        %get3A_410 = arith.index_cast %get3A_409 : i32 to index
        %get3A_411 = arith.index_cast %scan3A_334 : i32 to index
        %get3A_412 = arith.constant 32 : index
        %get3A_413 = tpu.vector_load %arg15[%get3A_410, %get3A_411, %get3A_412] {strides = array<i32>} : memref<2x48x128xf32, #tpu.memory_space<vmem>>, vector<1x1x16xf32>,
        %get3A_414 = vector.shape_cast %get3A_413 : vector<1x1x16xf32> to vector<16xf32>
        %add3A_415 = arith.addf %get3A_353, %get3A_414 : vector<16xf32>
        %mul3A_416 = arith.constant 2.000000e-01 : f32
        %mul3A_417 = vector.broadcast %mul3A_416 : f32 to vector<16xf32>
        %mul3A_418 = arith.mulf %mul3A_417, %add3A_415 : vector<16xf32>
        %max3A_419 = arith.maximumf %add3A_415, %mul3A_418 : vector<16xf32>
        %mul3A_420 = arith.mulf %max3A_419, %get3A_14 : vector<16xf32>
        %add3A_421 = arith.addf %add3A_408, %mul3A_420 : vector<16xf32>
        %get3A_422 = arith.constant 1 : i32
        %get3A_423 = arith.index_cast %get3A_422 : i32 to index
        %get3A_424 = arith.index_cast %scan3A_334 : i32 to index
        %get3A_425 = arith.constant 48 : index
        %get3A_426 = tpu.vector_load %arg15[%get3A_423, %get3A_424, %get3A_425] {strides = array<i32>} : memref<2x48x128xf32, #tpu.memory_space<vmem>>, vector<1x1x16xf32>,
        %get3A_427 = vector.shape_cast %get3A_426 : vector<1x1x16xf32> to vector<16xf32>
        %add3A_428 = arith.addf %get3A_359, %get3A_427 : vector<16xf32>
        %mul3A_429 = arith.constant 2.000000e-01 : f32
        %mul3A_430 = vector.broadcast %mul3A_429 : f32 to vector<16xf32>
        %mul3A_431 = arith.mulf %mul3A_430, %add3A_428 : vector<16xf32>
        %max3A_432 = arith.maximumf %add3A_428, %mul3A_431 : vector<16xf32>
        %mul3A_433 = arith.mulf %max3A_432, %get3A_17 : vector<16xf32>
        %add3A_434 = arith.addf %add3A_421, %mul3A_433 : vector<16xf32>
        %get3A_435 = arith.constant 1 : i32
        %get3A_436 = arith.index_cast %get3A_435 : i32 to index
        %get3A_437 = arith.index_cast %scan3A_334 : i32 to index
        %get3A_438 = arith.constant 64 : index
        %get3A_439 = tpu.vector_load %arg15[%get3A_436, %get3A_437, %get3A_438] {strides = array<i32>} : memref<2x48x128xf32, #tpu.memory_space<vmem>>, vector<1x1x16xf32>,
        %get3A_440 = vector.shape_cast %get3A_439 : vector<1x1x16xf32> to vector<16xf32>
        %add3A_441 = arith.addf %get3A_365, %get3A_440 : vector<16xf32>
        %mul3A_442 = arith.constant 2.000000e-01 : f32
        %mul3A_443 = vector.broadcast %mul3A_442 : f32 to vector<16xf32>
        %mul3A_444 = arith.mulf %mul3A_443, %add3A_441 : vector<16xf32>
        %max3A_445 = arith.maximumf %add3A_441, %mul3A_444 : vector<16xf32>
        %mul3A_446 = arith.mulf %max3A_445, %get3A_20 : vector<16xf32>
        %add3A_447 = arith.addf %broadcast_in_dim3A_30, %mul3A_446 : vector<16xf32>
        %get3A_448 = arith.constant 1 : i32
        %get3A_449 = arith.index_cast %get3A_448 : i32 to index
        %get3A_450 = arith.index_cast %scan3A_334 : i32 to index
        %get3A_451 = arith.constant 80 : index
        %get3A_452 = tpu.vector_load %arg15[%get3A_449, %get3A_450, %get3A_451] {strides = array<i32>} : memref<2x48x128xf32, #tpu.memory_space<vmem>>, vector<1x1x16xf32>,
        %get3A_453 = vector.shape_cast %get3A_452 : vector<1x1x16xf32> to vector<16xf32>
        %add3A_454 = arith.addf %get3A_371, %get3A_453 : vector<16xf32>
        %mul3A_455 = arith.constant 2.000000e-01 : f32
        %mul3A_456 = vector.broadcast %mul3A_455 : f32 to vector<16xf32>
        %mul3A_457 = arith.mulf %mul3A_456, %add3A_454 : vector<16xf32>
        %max3A_458 = arith.maximumf %add3A_454, %mul3A_457 : vector<16xf32>
        %mul3A_459 = arith.mulf %max3A_458, %get3A_23 : vector<16xf32>
        %add3A_460 = arith.addf %add3A_447, %mul3A_459 : vector<16xf32>
        %get3A_461 = arith.constant 1 : i32
        %get3A_462 = arith.index_cast %get3A_461 : i32 to index
        %get3A_463 = arith.index_cast %scan3A_334 : i32 to index
        %get3A_464 = arith.constant 96 : index
        %get3A_465 = tpu.vector_load %arg15[%get3A_462, %get3A_463, %get3A_464] {strides = array<i32>} : memref<2x48x128xf32, #tpu.memory_space<vmem>>, vector<1x1x16xf32>,
        %get3A_466 = vector.shape_cast %get3A_465 : vector<1x1x16xf32> to vector<16xf32>
        %add3A_467 = arith.addf %get3A_377, %get3A_466 : vector<16xf32>
        %mul3A_468 = arith.constant 2.000000e-01 : f32
        %mul3A_469 = vector.broadcast %mul3A_468 : f32 to vector<16xf32>
        %mul3A_470 = arith.mulf %mul3A_469, %add3A_467 : vector<16xf32>
        %max3A_471 = arith.maximumf %add3A_467, %mul3A_470 : vector<16xf32>
        %mul3A_472 = arith.mulf %max3A_471, %get3A_26 : vector<16xf32>
        %add3A_473 = arith.addf %add3A_460, %mul3A_472 : vector<16xf32>
        %get3A_474 = arith.constant 1 : i32
        %get3A_475 = arith.index_cast %get3A_474 : i32 to index
        %get3A_476 = arith.index_cast %scan3A_334 : i32 to index
        %get3A_477 = arith.constant 112 : index
        %get3A_478 = tpu.vector_load %arg15[%get3A_475, %get3A_476, %get3A_477] {strides = array<i32>} : memref<2x48x128xf32, #tpu.memory_space<vmem>>, vector<1x1x16xf32>,
        %get3A_479 = vector.shape_cast %get3A_478 : vector<1x1x16xf32> to vector<16xf32>
        %add3A_480 = arith.addf %get3A_383, %get3A_479 : vector<16xf32>
        %mul3A_481 = arith.constant 2.000000e-01 : f32
        %mul3A_482 = vector.broadcast %mul3A_481 : f32 to vector<16xf32>
        %mul3A_483 = arith.mulf %mul3A_482, %add3A_480 : vector<16xf32>
        %max3A_484 = arith.maximumf %add3A_480, %mul3A_483 : vector<16xf32>
        %mul3A_485 = arith.mulf %max3A_484, %get3A_29 : vector<16xf32>
        %add3A_486 = arith.addf %add3A_473, %mul3A_485 : vector<16xf32>
        %broadcast_in_dim3A_487 = vector.shape_cast %xor3A_32 : vector<16xi32> to vector<16x1xi32>
        %gather3A = vector.shape_cast %broadcast_in_dim3A_487 : vector<16x1xi32> to vector<16xi32>
        %gather3A_488 = tpu.dynamic_gather %add3A_434[%gather3A] in [0] : vector<16xf32>, vector<16xi32> -> vector<16xf32>
        %add3A_489 = arith.addf %add3A_434, %gather3A_488 : vector<16xf32>
        %broadcast_in_dim3A_490 = vector.shape_cast %xor3A_35 : vector<16xi32> to vector<16x1xi32>
        %gather3A_491 = vector.shape_cast %broadcast_in_dim3A_490 : vector<16x1xi32> to vector<16xi32>
        %gather3A_492 = tpu.dynamic_gather %add3A_489[%gather3A_491] in [0] : vector<16xf32>, vector<16xi32> -> vector<16xf32>
        %add3A_493 = arith.addf %add3A_489, %gather3A_492 : vector<16xf32>
        %broadcast_in_dim3A_494 = vector.shape_cast %xor3A_38 : vector<16xi32> to vector<16x1xi32>
        %gather3A_495 = vector.shape_cast %broadcast_in_dim3A_494 : vector<16x1xi32> to vector<16xi32>
        %gather3A_496 = tpu.dynamic_gather %add3A_493[%gather3A_495] in [0] : vector<16xf32>, vector<16xi32> -> vector<16xf32>
        %add3A_497 = arith.addf %add3A_493, %gather3A_496 : vector<16xf32>
        %broadcast_in_dim3A_498 = vector.shape_cast %xor3A_41 : vector<16xi32> to vector<16x1xi32>
        %gather3A_499 = vector.shape_cast %broadcast_in_dim3A_498 : vector<16x1xi32> to vector<16xi32>
        %gather3A_500 = tpu.dynamic_gather %add3A_497[%gather3A_499] in [0] : vector<16xf32>, vector<16xi32> -> vector<16xf32>
        %add3A_501 = arith.addf %add3A_497, %gather3A_500 : vector<16xf32>
        %exp3A = math.exp %add3A_501 : vector<16xf32>
        %broadcast_in_dim3A_502 = vector.shape_cast %xor3A_32 : vector<16xi32> to vector<16x1xi32>
        %gather3A_503 = vector.shape_cast %broadcast_in_dim3A_502 : vector<16x1xi32> to vector<16xi32>
        %gather3A_504 = tpu.dynamic_gather %add3A_486[%gather3A_503] in [0] : vector<16xf32>, vector<16xi32> -> vector<16xf32>
        %add3A_505 = arith.addf %add3A_486, %gather3A_504 : vector<16xf32>
        %broadcast_in_dim3A_506 = vector.shape_cast %xor3A_35 : vector<16xi32> to vector<16x1xi32>
        %gather3A_507 = vector.shape_cast %broadcast_in_dim3A_506 : vector<16x1xi32> to vector<16xi32>
        %gather3A_508 = tpu.dynamic_gather %add3A_505[%gather3A_507] in [0] : vector<16xf32>, vector<16xi32> -> vector<16xf32>
        %add3A_509 = arith.addf %add3A_505, %gather3A_508 : vector<16xf32>
        %broadcast_in_dim3A_510 = vector.shape_cast %xor3A_38 : vector<16xi32> to vector<16x1xi32>
        %gather3A_511 = vector.shape_cast %broadcast_in_dim3A_510 : vector<16x1xi32> to vector<16xi32>
        %gather3A_512 = tpu.dynamic_gather %add3A_509[%gather3A_511] in [0] : vector<16xf32>, vector<16xi32> -> vector<16xf32>
        %add3A_513 = arith.addf %add3A_509, %gather3A_512 : vector<16xf32>
        %broadcast_in_dim3A_514 = vector.shape_cast %xor3A_41 : vector<16xi32> to vector<16x1xi32>
        %gather3A_515 = vector.shape_cast %broadcast_in_dim3A_514 : vector<16x1xi32> to vector<16xi32>
        %gather3A_516 = tpu.dynamic_gather %add3A_513[%gather3A_515] in [0] : vector<16xf32>, vector<16xi32> -> vector<16xf32>
        %add3A_517 = arith.addf %add3A_513, %gather3A_516 : vector<16xf32>
        %exp3A_518 = math.exp %add3A_517 : vector<16xf32>
        %mul3A_519 = arith.mulf %get3A_341, %exp3A : vector<16xf32>
        %swap3A_520 = arith.index_cast %scan3A_334 : i32 to index
        %swap3A_521 = arith.constant 0 : index
        %swap3A_522 = tpu.vector_load %arg16[%swap3A_520, %swap3A_521] {strides = array<i32>} : memref<48x128xf32, #tpu.memory_space<vmem>>, vector<1x16xf32>,
        %swap3A_523 = vector.shape_cast %swap3A_522 : vector<1x16xf32> to vector<16xf32>
        %swap3A_524 = vector.shape_cast %mul3A_519 : vector<16xf32> to vector<1x16xf32>
        tpu.vector_store %arg16[%swap3A_520, %swap3A_521], %swap3A_524 {strides = array<i32>} : memref<48x128xf32, #tpu.memory_space<vmem>>, vector<1x16xf32>,
        %mul3A_525 = arith.mulf %get3A_347, %exp3A : vector<16xf32>
        %swap3A_526 = arith.index_cast %scan3A_334 : i32 to index
        %swap3A_527 = arith.constant 16 : index
        %swap3A_528 = tpu.vector_load %arg16[%swap3A_526, %swap3A_527] {strides = array<i32>} : memref<48x128xf32, #tpu.memory_space<vmem>>, vector<1x16xf32>,
        %swap3A_529 = vector.shape_cast %swap3A_528 : vector<1x16xf32> to vector<16xf32>
        %swap3A_530 = vector.shape_cast %mul3A_525 : vector<16xf32> to vector<1x16xf32>
        tpu.vector_store %arg16[%swap3A_526, %swap3A_527], %swap3A_530 {strides = array<i32>} : memref<48x128xf32, #tpu.memory_space<vmem>>, vector<1x16xf32>,
        %mul3A_531 = arith.mulf %get3A_353, %exp3A : vector<16xf32>
        %swap3A_532 = arith.index_cast %scan3A_334 : i32 to index
        %swap3A_533 = arith.constant 32 : index
        %swap3A_534 = tpu.vector_load %arg16[%swap3A_532, %swap3A_533] {strides = array<i32>} : memref<48x128xf32, #tpu.memory_space<vmem>>, vector<1x16xf32>,
        %swap3A_535 = vector.shape_cast %swap3A_534 : vector<1x16xf32> to vector<16xf32>
        %swap3A_536 = vector.shape_cast %mul3A_531 : vector<16xf32> to vector<1x16xf32>
        tpu.vector_store %arg16[%swap3A_532, %swap3A_533], %swap3A_536 {strides = array<i32>} : memref<48x128xf32, #tpu.memory_space<vmem>>, vector<1x16xf32>,
        %mul3A_537 = arith.mulf %get3A_359, %exp3A : vector<16xf32>
        %swap3A_538 = arith.index_cast %scan3A_334 : i32 to index
        %swap3A_539 = arith.constant 48 : index
        %swap3A_540 = tpu.vector_load %arg16[%swap3A_538, %swap3A_539] {strides = array<i32>} : memref<48x128xf32, #tpu.memory_space<vmem>>, vector<1x16xf32>,
        %swap3A_541 = vector.shape_cast %swap3A_540 : vector<1x16xf32> to vector<16xf32>
        %swap3A_542 = vector.shape_cast %mul3A_537 : vector<16xf32> to vector<1x16xf32>
        tpu.vector_store %arg16[%swap3A_538, %swap3A_539], %swap3A_542 {strides = array<i32>} : memref<48x128xf32, #tpu.memory_space<vmem>>, vector<1x16xf32>,
        %mul3A_543 = arith.mulf %get3A_365, %exp3A_518 : vector<16xf32>
        %swap3A_544 = arith.index_cast %scan3A_334 : i32 to index
        %swap3A_545 = arith.constant 64 : index
        %swap3A_546 = tpu.vector_load %arg16[%swap3A_544, %swap3A_545] {strides = array<i32>} : memref<48x128xf32, #tpu.memory_space<vmem>>, vector<1x16xf32>,
        %swap3A_547 = vector.shape_cast %swap3A_546 : vector<1x16xf32> to vector<16xf32>
        %swap3A_548 = vector.shape_cast %mul3A_543 : vector<16xf32> to vector<1x16xf32>
        tpu.vector_store %arg16[%swap3A_544, %swap3A_545], %swap3A_548 {strides = array<i32>} : memref<48x128xf32, #tpu.memory_space<vmem>>, vector<1x16xf32>,
        %mul3A_549 = arith.mulf %get3A_371, %exp3A_518 : vector<16xf32>
        %swap3A_550 = arith.index_cast %scan3A_334 : i32 to index
        %swap3A_551 = arith.constant 80 : index
        %swap3A_552 = tpu.vector_load %arg16[%swap3A_550, %swap3A_551] {strides = array<i32>} : memref<48x128xf32, #tpu.memory_space<vmem>>, vector<1x16xf32>,
        %swap3A_553 = vector.shape_cast %swap3A_552 : vector<1x16xf32> to vector<16xf32>
        %swap3A_554 = vector.shape_cast %mul3A_549 : vector<16xf32> to vector<1x16xf32>
        tpu.vector_store %arg16[%swap3A_550, %swap3A_551], %swap3A_554 {strides = array<i32>} : memref<48x128xf32, #tpu.memory_space<vmem>>, vector<1x16xf32>,
        %mul3A_555 = arith.mulf %get3A_377, %exp3A_518 : vector<16xf32>
        %swap3A_556 = arith.index_cast %scan3A_334 : i32 to index
        %swap3A_557 = arith.constant 96 : index
        %swap3A_558 = tpu.vector_load %arg16[%swap3A_556, %swap3A_557] {strides = array<i32>} : memref<48x128xf32, #tpu.memory_space<vmem>>, vector<1x16xf32>,
        %swap3A_559 = vector.shape_cast %swap3A_558 : vector<1x16xf32> to vector<16xf32>
        %swap3A_560 = vector.shape_cast %mul3A_555 : vector<16xf32> to vector<1x16xf32>
        tpu.vector_store %arg16[%swap3A_556, %swap3A_557], %swap3A_560 {strides = array<i32>} : memref<48x128xf32, #tpu.memory_space<vmem>>, vector<1x16xf32>,
        %mul3A_561 = arith.mulf %get3A_383, %exp3A_518 : vector<16xf32>
        %swap3A_562 = arith.index_cast %scan3A_334 : i32 to index
        %swap3A_563 = arith.constant 112 : index
        %swap3A_564 = tpu.vector_load %arg16[%swap3A_562, %swap3A_563] {strides = array<i32>} : memref<48x128xf32, #tpu.memory_space<vmem>>, vector<1x16xf32>,
        %swap3A_565 = vector.shape_cast %swap3A_564 : vector<1x16xf32> to vector<16xf32>
        %swap3A_566 = vector.shape_cast %mul3A_561 : vector<16xf32> to vector<1x16xf32>
        tpu.vector_store %arg16[%swap3A_562, %swap3A_563], %swap3A_566 {strides = array<i32>} : memref<48x128xf32, #tpu.memory_space<vmem>>, vector<1x16xf32>,
        %get3A_567 = arith.constant 1 : i32
        %get3A_568 = arith.index_cast %get3A_567 : i32 to index
        %get3A_569 = arith.index_cast %scan3A_334 : i32 to index
        %get3A_570 = tpu.vector_load %arg13[%get3A_568, %get3A_569] {strides = array<i32>} : memref<2x64xi32, #tpu.memory_space<vmem>>, vector<1x16xi32>,
        %get3A_571 = vector.shape_cast %get3A_570 : vector<1x16xi32> to vector<16xi32>
        %slice3A = vector.extract_strided_slice %get3A_571 {offsets = [0], sizes = [1], strides = [1]} : vector<16xi32> to vector<1xi32>
        %squeeze3A = vector.extract %slice3A[0] : i32 from vector<1xi32>
        %and3A = arith.constant 63 : i32
        %and3A_572 = arith.andi %squeeze3A, %and3A : i32
        %mul3A_573 = arith.constant 2 : i32
        %mul3A_574 = arith.muli %and3A_572, %mul3A_573 : i32
        %and3A_575 = arith.constant 15 : i32
        %and3A_576 = arith.andi %mul3A_574, %and3A_575 : i32
        %eq3A_577 = vector.broadcast %and3A_576 : i32 to vector<16xi32>
        %eq3A_578 = arith.cmpi eq, %iota3A, %eq3A_577 : vector<16xi32>
        %add3A_579 = arith.constant 1 : i32
        %add3A_580 = arith.addi %and3A_576, %add3A_579 : i32
        %eq3A_581 = vector.broadcast %add3A_580 : i32 to vector<16xi32>
        %eq3A_582 = arith.cmpi eq, %iota3A, %eq3A_581 : vector<16xi32>
        %select_n3A = arith.select %eq3A_582, %exp3A_518, %broadcast_in_dim3A_30 : vector<16xi1>, vector<16xf32>
        %select_n3A_583 = arith.select %eq3A_578, %exp3A, %select_n3A : vector<16xi1>, vector<16xf32>
        %swap3A_584 = arith.index_cast %scan3A_334 : i32 to index
        %swap3A_585 = arith.constant 0 : index
        %swap3A_586 = tpu.vector_load %arg17[%swap3A_584, %swap3A_585] {strides = array<i32>} : memref<48x128xf32, #tpu.memory_space<vmem>>, vector<1x16xf32>,
        %swap3A_587 = vector.shape_cast %swap3A_586 : vector<1x16xf32> to vector<16xf32>
        %swap3A_588 = vector.shape_cast %broadcast_in_dim3A_30 : vector<16xf32> to vector<1x16xf32>
        tpu.vector_store %arg17[%swap3A_584, %swap3A_585], %swap3A_588 {strides = array<i32>} : memref<48x128xf32, #tpu.memory_space<vmem>>, vector<1x16xf32>,
        %swap3A_589 = arith.index_cast %scan3A_334 : i32 to index
        %swap3A_590 = arith.constant 16 : index
        %swap3A_591 = tpu.vector_load %arg17[%swap3A_589, %swap3A_590] {strides = array<i32>} : memref<48x128xf32, #tpu.memory_space<vmem>>, vector<1x16xf32>,
        %swap3A_592 = vector.shape_cast %swap3A_591 : vector<1x16xf32> to vector<16xf32>
        %swap3A_593 = vector.shape_cast %broadcast_in_dim3A_30 : vector<16xf32> to vector<1x16xf32>
        tpu.vector_store %arg17[%swap3A_589, %swap3A_590], %swap3A_593 {strides = array<i32>} : memref<48x128xf32, #tpu.memory_space<vmem>>, vector<1x16xf32>,
        %swap3A_594 = arith.index_cast %scan3A_334 : i32 to index
        %swap3A_595 = arith.constant 32 : index
        %swap3A_596 = tpu.vector_load %arg17[%swap3A_594, %swap3A_595] {strides = array<i32>} : memref<48x128xf32, #tpu.memory_space<vmem>>, vector<1x16xf32>,
        %swap3A_597 = vector.shape_cast %swap3A_596 : vector<1x16xf32> to vector<16xf32>
        %swap3A_598 = vector.shape_cast %broadcast_in_dim3A_30 : vector<16xf32> to vector<1x16xf32>
        tpu.vector_store %arg17[%swap3A_594, %swap3A_595], %swap3A_598 {strides = array<i32>} : memref<48x128xf32, #tpu.memory_space<vmem>>, vector<1x16xf32>,
        %swap3A_599 = arith.index_cast %scan3A_334 : i32 to index
        %swap3A_600 = arith.constant 48 : index
        %swap3A_601 = tpu.vector_load %arg17[%swap3A_599, %swap3A_600] {strides = array<i32>} : memref<48x128xf32, #tpu.memory_space<vmem>>, vector<1x16xf32>,
        %swap3A_602 = vector.shape_cast %swap3A_601 : vector<1x16xf32> to vector<16xf32>
        %swap3A_603 = vector.shape_cast %broadcast_in_dim3A_30 : vector<16xf32> to vector<1x16xf32>
        tpu.vector_store %arg17[%swap3A_599, %swap3A_600], %swap3A_603 {strides = array<i32>} : memref<48x128xf32, #tpu.memory_space<vmem>>, vector<1x16xf32>,
        %swap3A_604 = arith.index_cast %scan3A_334 : i32 to index
        %swap3A_605 = arith.constant 64 : index
        %swap3A_606 = tpu.vector_load %arg17[%swap3A_604, %swap3A_605] {strides = array<i32>} : memref<48x128xf32, #tpu.memory_space<vmem>>, vector<1x16xf32>,
        %swap3A_607 = vector.shape_cast %swap3A_606 : vector<1x16xf32> to vector<16xf32>
        %swap3A_608 = vector.shape_cast %broadcast_in_dim3A_30 : vector<16xf32> to vector<1x16xf32>
        tpu.vector_store %arg17[%swap3A_604, %swap3A_605], %swap3A_608 {strides = array<i32>} : memref<48x128xf32, #tpu.memory_space<vmem>>, vector<1x16xf32>,
        %swap3A_609 = arith.index_cast %scan3A_334 : i32 to index
        %swap3A_610 = arith.constant 80 : index
        %swap3A_611 = tpu.vector_load %arg17[%swap3A_609, %swap3A_610] {strides = array<i32>} : memref<48x128xf32, #tpu.memory_space<vmem>>, vector<1x16xf32>,
        %swap3A_612 = vector.shape_cast %swap3A_611 : vector<1x16xf32> to vector<16xf32>
        %swap3A_613 = vector.shape_cast %broadcast_in_dim3A_30 : vector<16xf32> to vector<1x16xf32>
        tpu.vector_store %arg17[%swap3A_609, %swap3A_610], %swap3A_613 {strides = array<i32>} : memref<48x128xf32, #tpu.memory_space<vmem>>, vector<1x16xf32>,
        %swap3A_614 = arith.index_cast %scan3A_334 : i32 to index
        %swap3A_615 = arith.constant 96 : index
        %swap3A_616 = tpu.vector_load %arg17[%swap3A_614, %swap3A_615] {strides = array<i32>} : memref<48x128xf32, #tpu.memory_space<vmem>>, vector<1x16xf32>,
        %swap3A_617 = vector.shape_cast %swap3A_616 : vector<1x16xf32> to vector<16xf32>
        %swap3A_618 = vector.shape_cast %broadcast_in_dim3A_30 : vector<16xf32> to vector<1x16xf32>
        tpu.vector_store %arg17[%swap3A_614, %swap3A_615], %swap3A_618 {strides = array<i32>} : memref<48x128xf32, #tpu.memory_space<vmem>>, vector<1x16xf32>,
        %swap3A_619 = arith.index_cast %scan3A_334 : i32 to index
        %swap3A_620 = arith.constant 112 : index
        %swap3A_621 = tpu.vector_load %arg17[%swap3A_619, %swap3A_620] {strides = array<i32>} : memref<48x128xf32, #tpu.memory_space<vmem>>, vector<1x16xf32>,
        %swap3A_622 = vector.shape_cast %swap3A_621 : vector<1x16xf32> to vector<16xf32>
        %swap3A_623 = vector.shape_cast %broadcast_in_dim3A_30 : vector<16xf32> to vector<1x16xf32>
        tpu.vector_store %arg17[%swap3A_619, %swap3A_620], %swap3A_623 {strides = array<i32>} : memref<48x128xf32, #tpu.memory_space<vmem>>, vector<1x16xf32>,
        %shift_right_arithmetic3A_624 = arith.constant 4 : i32
        %shift_right_arithmetic3A_625 = arith.shrsi %mul3A_574, %shift_right_arithmetic3A_624 : i32
        %mul3A_626 = arith.constant 16 : i32
        %mul3A_627 = arith.muli %shift_right_arithmetic3A_625, %mul3A_626 : i32
        %swap3A_628 = arith.index_cast %scan3A_334 : i32 to index
        %swap3A_629 = arith.index_cast %mul3A_627 : i32 to index
        %swap3A_630 = tpu.vector_load %arg17[%swap3A_628, %swap3A_629] {strides = array<i32>} : memref<48x128xf32, #tpu.memory_space<vmem>>, vector<1x16xf32>,
        %swap3A_631 = vector.shape_cast %swap3A_630 : vector<1x16xf32> to vector<16xf32>
        %swap3A_632 = vector.shape_cast %select_n3A_583 : vector<16xf32> to vector<1x16xf32>
        tpu.vector_store %arg17[%swap3A_628, %swap3A_629], %swap3A_632 {strides = array<i32>} : memref<48x128xf32, #tpu.memory_space<vmem>>, vector<1x16xf32>,
        %scan3A_633 = arith.constant 0 : i32
        scf.yield %scan3A_633 : i32
      }
      %scan3A_295 = arith.constant 48 : i32
      %get3A_296 = arith.constant 1 : i32
      %get3A_297 = arith.index_cast %get3A_296 : i32 to index
      %get3A_298 = arith.constant 0 : index
      %get3A_299 = tpu.vector_load %arg13[%get3A_297, %get3A_298] {strides = array<i32>} : memref<2x64xi32, #tpu.memory_space<vmem>>, vector<1x16xi32>,
      %get3A_300 = vector.shape_cast %get3A_299 : vector<1x16xi32> to vector<16xi32>
      %shift_right_arithmetic3A_301 = arith.constant 6 : i32
      %shift_right_arithmetic3A_302 = vector.broadcast %shift_right_arithmetic3A_301 : i32 to vector<16xi32>
      %shift_right_arithmetic3A_303 = arith.shrsi %get3A_300, %shift_right_arithmetic3A_302 : vector<16xi32>
      %swap3A_304 = arith.constant 0 : index
      %swap3A_305 = tpu.vector_load %arg18[%swap3A_304] {strides = array<i32>} : memref<48xi32, #tpu.memory_space<vmem>>, vector<16xi32>,
      %swap3A_306 = vector.shape_cast %swap3A_305 : vector<16xi32> to vector<16xi32>
      %swap3A_307 = vector.shape_cast %shift_right_arithmetic3A_303 : vector<16xi32> to vector<16xi32>
      tpu.vector_store %arg18[%swap3A_304], %swap3A_307 {strides = array<i32>} : memref<48xi32, #tpu.memory_space<vmem>>, vector<16xi32>,
      %get3A_308 = arith.constant 1 : i32
      %get3A_309 = arith.index_cast %get3A_308 : i32 to index
      %get3A_310 = arith.constant 16 : index
      %get3A_311 = tpu.vector_load %arg13[%get3A_309, %get3A_310] {strides = array<i32>} : memref<2x64xi32, #tpu.memory_space<vmem>>, vector<1x16xi32>,
      %get3A_312 = vector.shape_cast %get3A_311 : vector<1x16xi32> to vector<16xi32>
      %shift_right_arithmetic3A_313 = arith.constant 6 : i32
      %shift_right_arithmetic3A_314 = vector.broadcast %shift_right_arithmetic3A_313 : i32 to vector<16xi32>
      %shift_right_arithmetic3A_315 = arith.shrsi %get3A_312, %shift_right_arithmetic3A_314 : vector<16xi32>
      %swap3A_316 = arith.constant 16 : index
      %swap3A_317 = tpu.vector_load %arg18[%swap3A_316] {strides = array<i32>} : memref<48xi32, #tpu.memory_space<vmem>>, vector<16xi32>,
      %swap3A_318 = vector.shape_cast %swap3A_317 : vector<16xi32> to vector<16xi32>
      %swap3A_319 = vector.shape_cast %shift_right_arithmetic3A_315 : vector<16xi32> to vector<16xi32>
      tpu.vector_store %arg18[%swap3A_316], %swap3A_319 {strides = array<i32>} : memref<48xi32, #tpu.memory_space<vmem>>, vector<16xi32>,
      %get3A_320 = arith.constant 1 : i32
      %get3A_321 = arith.index_cast %get3A_320 : i32 to index
      %get3A_322 = arith.constant 32 : index
      %get3A_323 = tpu.vector_load %arg13[%get3A_321, %get3A_322] {strides = array<i32>} : memref<2x64xi32, #tpu.memory_space<vmem>>, vector<1x16xi32>,
      %get3A_324 = vector.shape_cast %get3A_323 : vector<1x16xi32> to vector<16xi32>
      %shift_right_arithmetic3A_325 = arith.constant 6 : i32
      %shift_right_arithmetic3A_326 = vector.broadcast %shift_right_arithmetic3A_325 : i32 to vector<16xi32>
      %shift_right_arithmetic3A_327 = arith.shrsi %get3A_324, %shift_right_arithmetic3A_326 : vector<16xi32>
      %swap3A_328 = arith.constant 32 : index
      %swap3A_329 = tpu.vector_load %arg18[%swap3A_328] {strides = array<i32>} : memref<48xi32, #tpu.memory_space<vmem>>, vector<16xi32>,
      %swap3A_330 = vector.shape_cast %swap3A_329 : vector<16xi32> to vector<16xi32>
      %swap3A_331 = vector.shape_cast %shift_right_arithmetic3A_327 : vector<16xi32> to vector<16xi32>
      tpu.vector_store %arg18[%swap3A_328], %swap3A_331 {strides = array<i32>} : memref<48xi32, #tpu.memory_space<vmem>>, vector<16xi32>,
      %run_scoped3A_332 = arith.constant 1 : i32
      "tpu.region"() ({
        %run_scoped3A_334 = tpu.sem_alloc : memref<!tpu.dma_semaphore, #tpu.memory_space<semaphore_mem>>
        %dma_start3A_335 = arith.constant 0 : i32
        %dma_start3A_336 = tpu.memref_slice %arg13[%run_scoped3A_332, %dma_start3A_335] : memref<2x64xi32, #tpu.memory_space<vmem>> -> memref<1x64xi32, #tpu.memory_space<vmem>>
        %dma_start3A_337 = tpu.memref_squeeze %dma_start3A_336 : memref<1x64xi32, #tpu.memory_space<vmem>> -> memref<64xi32, #tpu.memory_space<vmem>>
        %dma_start3A_338 = arith.constant 0 : i32
        %dma_start3A_339 = tpu.memref_slice %dma_start3A_337[%dma_start3A_338] : memref<64xi32, #tpu.memory_space<vmem>> -> memref<48xi32, #tpu.memory_space<vmem>>
        %dma_start3A_340 = arith.constant 0 : i32
        %dma_start3A_341 = arith.constant 0 : i32
        %dma_start3A_342 = tpu.memref_slice %arg10[%dma_start3A_340, %dma_start3A_341] : memref<10112x128xf32, #tpu.memory_space<vmem_shared>> -> memref<10112x128xf32, #tpu.memory_space<vmem_shared>>
        tpu.enqueue_indirect_dma source(%arg16 : memref<48x128xf32, #tpu.memory_space<vmem>>) target(%dma_start3A_342 : memref<10112x128xf32, #tpu.memory_space<vmem_shared>>) offsets(%dma_start3A_339 : memref<48xi32, #tpu.memory_space<vmem>>) semaphore(%run_scoped3A_334 : memref<!tpu.dma_semaphore, #tpu.memory_space<semaphore_mem>>) {add = true}
        %dma_wait3A_343 = arith.constant 0 : i32
        %dma_wait3A_344 = tpu.memref_slice %arg13[%run_scoped3A_332, %dma_wait3A_343] : memref<2x64xi32, #tpu.memory_space<vmem>> -> memref<1x64xi32, #tpu.memory_space<vmem>>
        %dma_wait3A_345 = tpu.memref_squeeze %dma_wait3A_344 : memref<1x64xi32, #tpu.memory_space<vmem>> -> memref<64xi32, #tpu.memory_space<vmem>>
        %dma_wait3A_346 = arith.constant 0 : i32
        %dma_wait3A_347 = tpu.memref_slice %dma_wait3A_345[%dma_wait3A_346] : memref<64xi32, #tpu.memory_space<vmem>> -> memref<48xi32, #tpu.memory_space<vmem>>
        %dma_wait3A_348 = arith.constant 0 : i32
        %dma_wait3A_349 = arith.constant 0 : i32
        %dma_wait3A_350 = tpu.memref_slice %arg10[%dma_wait3A_348, %dma_wait3A_349] : memref<10112x128xf32, #tpu.memory_space<vmem_shared>> -> memref<10112x128xf32, #tpu.memory_space<vmem_shared>>
        tpu.wait_indirect_dma semaphore(%run_scoped3A_334 : memref<!tpu.dma_semaphore, #tpu.memory_space<semaphore_mem>>) src(%arg16 : memref<48x128xf32, #tpu.memory_space<vmem>>) dst(%dma_wait3A_350 : memref<10112x128xf32, #tpu.memory_space<vmem_shared>>)
        tpu.yield
      }) : () -> ()
      "tpu.region"() ({
        %run_scoped3A_334 = tpu.sem_alloc : memref<!tpu.dma_semaphore, #tpu.memory_space<semaphore_mem>>
        %dma_start3A_335 = arith.constant 0 : i32
        %dma_start3A_336 = arith.constant 0 : i32
        %dma_start3A_337 = tpu.memref_slice %arg11[%dma_start3A_335, %dma_start3A_336] : memref<160x128xf32, #tpu.memory_space<vmem_shared>> -> memref<160x128xf32, #tpu.memory_space<vmem_shared>>
        tpu.enqueue_indirect_dma source(%arg17 : memref<48x128xf32, #tpu.memory_space<vmem>>) target(%dma_start3A_337 : memref<160x128xf32, #tpu.memory_space<vmem_shared>>) offsets(%arg18 : memref<48xi32, #tpu.memory_space<vmem>>) semaphore(%run_scoped3A_334 : memref<!tpu.dma_semaphore, #tpu.memory_space<semaphore_mem>>) {add = true}
        %dma_wait3A_338 = arith.constant 0 : i32
        %dma_wait3A_339 = arith.constant 0 : i32
        %dma_wait3A_340 = tpu.memref_slice %arg11[%dma_wait3A_338, %dma_wait3A_339] : memref<160x128xf32, #tpu.memory_space<vmem_shared>> -> memref<160x128xf32, #tpu.memory_space<vmem_shared>>
        tpu.wait_indirect_dma semaphore(%run_scoped3A_334 : memref<!tpu.dma_semaphore, #tpu.memory_space<semaphore_mem>>) src(%arg17 : memref<48x128xf32, #tpu.memory_space<vmem>>) dst(%dma_wait3A_340 : memref<160x128xf32, #tpu.memory_space<vmem_shared>>)
        tpu.yield
      }) : () -> ()
      %scan3A_333 = arith.constant 0 : i32
      scf.yield %scan3A_333 : i32
    }
    %scan3A_80 = arith.constant 108 : i32
    %dma_wait3A = arith.constant 0 : i32
    %dma_wait3A_81 = arith.constant 0 : i32
    %dma_wait3A_82 = arith.constant 0 : i32
    %dma_wait3A_83 = arith.constant 0 : i32
    %dma_wait3A_84 = tpu.memref_slice %arg14[%dma_wait3A_81, %dma_wait3A_82, %dma_wait3A_83] : memref<2x48x128xf32, #tpu.memory_space<vmem>> -> memref<1x48x128xf32, #tpu.memory_space<vmem>>
    %dma_wait3A_85 = tpu.memref_squeeze %dma_wait3A_84 : memref<1x48x128xf32, #tpu.memory_space<vmem>> -> memref<48x128xf32, #tpu.memory_space<vmem>>
    %dma_wait3A_86 = arith.constant 0 : i32
    %dma_wait3A_87 = tpu.memref_slice %arg12[%dma_wait3A, %dma_wait3A_86] : memref<2x48xi32, #tpu.memory_space<vmem>> -> memref<1x48xi32, #tpu.memory_space<vmem>>
    %dma_wait3A_88 = tpu.memref_squeeze %dma_wait3A_87 : memref<1x48xi32, #tpu.memory_space<vmem>> -> memref<48xi32, #tpu.memory_space<vmem>>
    %dma_wait3A_89 = arith.constant 0 : i32
    %dma_wait3A_90 = arith.constant 0 : i32
    %dma_wait3A_91 = tpu.memref_slice %arg2[%dma_wait3A_89, %dma_wait3A_90] : memref<10112x128xf32, #tpu.memory_space<hbm>> -> memref<10112x128xf32, #tpu.memory_space<hbm>>
    tpu.wait_indirect_dma semaphore(%arg20 : memref<!tpu.dma_semaphore, #tpu.memory_space<semaphore_mem>>) src(%dma_wait3A_91 : memref<10112x128xf32, #tpu.memory_space<hbm>>) dst(%dma_wait3A_85 : memref<48x128xf32, #tpu.memory_space<vmem>>)
    %dma_wait3A_92 = arith.constant 0 : i32
    %dma_wait3A_93 = arith.constant 0 : i32
    %dma_wait3A_94 = arith.constant 0 : i32
    %dma_wait3A_95 = arith.constant 0 : i32
    %dma_wait3A_96 = tpu.memref_slice %arg15[%dma_wait3A_93, %dma_wait3A_94, %dma_wait3A_95] : memref<2x48x128xf32, #tpu.memory_space<vmem>> -> memref<1x48x128xf32, #tpu.memory_space<vmem>>
    %dma_wait3A_97 = tpu.memref_squeeze %dma_wait3A_96 : memref<1x48x128xf32, #tpu.memory_space<vmem>> -> memref<48x128xf32, #tpu.memory_space<vmem>>
    %dma_wait3A_98 = arith.constant 0 : i32
    %dma_wait3A_99 = tpu.memref_slice %arg12[%dma_wait3A_92, %dma_wait3A_98] : memref<2x48xi32, #tpu.memory_space<vmem>> -> memref<1x48xi32, #tpu.memory_space<vmem>>
    %dma_wait3A_100 = tpu.memref_squeeze %dma_wait3A_99 : memref<1x48xi32, #tpu.memory_space<vmem>> -> memref<48xi32, #tpu.memory_space<vmem>>
    %dma_wait3A_101 = arith.constant 0 : i32
    %dma_wait3A_102 = arith.constant 0 : i32
    %dma_wait3A_103 = tpu.memref_slice %arg2[%dma_wait3A_101, %dma_wait3A_102] : memref<10112x128xf32, #tpu.memory_space<hbm>> -> memref<10112x128xf32, #tpu.memory_space<hbm>>
    tpu.wait_indirect_dma semaphore(%arg22 : memref<!tpu.dma_semaphore, #tpu.memory_space<semaphore_mem>>) src(%dma_wait3A_103 : memref<10112x128xf32, #tpu.memory_space<hbm>>) dst(%dma_wait3A_97 : memref<48x128xf32, #tpu.memory_space<vmem>>)
    %barrier3A_104 = arith.constant 0 : index
    tpu.barrier barrier_id(%barrier3A_104)
    %eq3A_105 = arith.constant 0 : i32
    %eq3A_106 = arith.cmpi eq, %arg1, %eq3A_105 : i32
    %convert_element_type3A_107 = arith.extui %eq3A_106 : i1 to i32
    %cond3A_108 = arith.constant 0 : i32
    %cond3A_109 = arith.cmpi ne, %convert_element_type3A_107, %cond3A_108 : i32
    scf.if %cond3A_109 {
      "tpu.region"() ({
        %run_scoped3A_117 = tpu.sem_alloc : memref<!tpu.dma_semaphore, #tpu.memory_space<semaphore_mem>>
        %dma_start3A_118 = arith.constant 0 : i32
        %dma_start3A_119 = arith.constant 0 : i32
        %dma_start3A_120 = tpu.memref_slice %arg9[%arg0, %dma_start3A_118, %dma_start3A_119] : memref<2x160x128xf32, #tpu.memory_space<hbm>> -> memref<1x160x128xf32, #tpu.memory_space<hbm>>
        %dma_start3A_121 = tpu.memref_squeeze %dma_start3A_120 : memref<1x160x128xf32, #tpu.memory_space<hbm>> -> memref<160x128xf32, #tpu.memory_space<hbm>>
        tpu.enqueue_dma source(%arg11 : memref<160x128xf32, #tpu.memory_space<vmem_shared>>) target(%dma_start3A_121 : memref<160x128xf32, #tpu.memory_space<hbm>>) target_semaphore(%run_scoped3A_117 : memref<!tpu.dma_semaphore, #tpu.memory_space<semaphore_mem>>)
        %dma_wait3A_122 = arith.constant 0 : i32
        %dma_wait3A_123 = arith.constant 0 : i32
        %dma_wait3A_124 = tpu.memref_slice %arg9[%arg0, %dma_wait3A_122, %dma_wait3A_123] : memref<2x160x128xf32, #tpu.memory_space<hbm>> -> memref<1x160x128xf32, #tpu.memory_space<hbm>>
        %dma_wait3A_125 = tpu.memref_squeeze %dma_wait3A_124 : memref<1x160x128xf32, #tpu.memory_space<hbm>> -> memref<160x128xf32, #tpu.memory_space<hbm>>
        tpu.wait_dma2 semaphore(%run_scoped3A_117 : memref<!tpu.dma_semaphore, #tpu.memory_space<semaphore_mem>>) src(%arg11 : memref<160x128xf32, #tpu.memory_space<vmem_shared>>) dst(%dma_wait3A_125 : memref<160x128xf32, #tpu.memory_space<hbm>>)
        tpu.yield
      }) : () -> ()
    } else {
    }
    %mul3A_110 = arith.constant 632 : i32
    %mul3A_111 = arith.muli %arg1, %mul3A_110 : i32
    %mul3A_112 = arith.constant 10112 : i32
    %mul3A_113 = arith.muli %arg0, %mul3A_112 : i32
    %mul3A_114 = arith.constant 632 : i32
    %mul3A_115 = arith.muli %arg1, %mul3A_114 : i32
    %add3A_116 = arith.addi %mul3A_113, %mul3A_115 : i32
    "tpu.region"() ({
      %run_scoped3A_117 = tpu.sem_alloc : memref<!tpu.dma_semaphore, #tpu.memory_space<semaphore_mem>>
      %dma_start3A_118 = arith.constant 0 : i32
      %dma_start3A_119 = tpu.memref_slice %arg8[%add3A_116, %dma_start3A_118] : memref<20224x128xf32, #tpu.memory_space<hbm>> -> memref<632x128xf32, #tpu.memory_space<hbm>>
      %dma_start3A_120 = arith.constant 0 : i32
      %dma_start3A_121 = tpu.memref_slice %arg10[%mul3A_111, %dma_start3A_120] : memref<10112x128xf32, #tpu.memory_space<vmem_shared>> -> memref<632x128xf32, #tpu.memory_space<vmem_shared>>
      tpu.enqueue_dma source(%dma_start3A_121 : memref<632x128xf32, #tpu.memory_space<vmem_shared>>) target(%dma_start3A_119 : memref<632x128xf32, #tpu.memory_space<hbm>>) target_semaphore(%run_scoped3A_117 : memref<!tpu.dma_semaphore, #tpu.memory_space<semaphore_mem>>)
      %dma_wait3A_122 = arith.constant 0 : i32
      %dma_wait3A_123 = tpu.memref_slice %arg8[%add3A_116, %dma_wait3A_122] : memref<20224x128xf32, #tpu.memory_space<hbm>> -> memref<632x128xf32, #tpu.memory_space<hbm>>
      %dma_wait3A_124 = arith.constant 0 : i32
      %dma_wait3A_125 = tpu.memref_slice %arg10[%mul3A_111, %dma_wait3A_124] : memref<10112x128xf32, #tpu.memory_space<vmem_shared>> -> memref<632x128xf32, #tpu.memory_space<vmem_shared>>
      tpu.wait_dma2 semaphore(%run_scoped3A_117 : memref<!tpu.dma_semaphore, #tpu.memory_space<semaphore_mem>>) src(%dma_wait3A_125 : memref<632x128xf32, #tpu.memory_space<vmem_shared>>) dst(%dma_wait3A_123 : memref<632x128xf32, #tpu.memory_space<hbm>>)
      tpu.yield
    }) : () -> ()
    return
  }
}

module attributes {stable_mosaic.version = 14 : i64} {
  func.func @_pre_body(%arg0: i32, %arg1: memref<1000x128xf32, #tpu.memory_space<vmem>>, %arg2: memref<1000x128xf32, #tpu.memory_space<vmem>>, %arg3: memref<128x64xf32, #tpu.memory_space<vmem>>, %arg4: memref<64xf32, #tpu.memory_space<vmem>>, %arg5: memref<128x64xf32, #tpu.memory_space<vmem>>, %arg6: memref<64xf32, #tpu.memory_space<vmem>>, %arg7: memref<64x128xf32, #tpu.memory_space<vmem>>, %arg8: memref<128xf32, #tpu.memory_space<vmem>>, %arg9: memref<64x128xf32, #tpu.memory_space<vmem>>, %arg10: memref<128xf32, #tpu.memory_space<vmem>>, %arg11: memref<1000x128xf32, #tpu.memory_space<vmem>>, %arg12: memref<1000x128xf32, #tpu.memory_space<vmem>>) attributes {dimension_semantics = [#tpu.dimension_semantics<arbitrary>], iteration_bounds = array<i64: 10>, scalar_prefetch = 0 : i64, scratch_operands = 0 : i64, tpu.core_type = #tpu.core_type<tc>, window_params = [{transform_indices = @transform_0, window_bounds = array<i64: 1000, 128>}, {transform_indices = @transform_1, window_bounds = array<i64: 1000, 128>}, {pipeline_mode = #tpu.pipeline_mode<synchronous>, transform_indices = @transform_2, window_bounds = array<i64: 128, 64>}, {pipeline_mode = #tpu.pipeline_mode<synchronous>, transform_indices = @transform_3, window_bounds = array<i64: 64>}, {pipeline_mode = #tpu.pipeline_mode<synchronous>, transform_indices = @transform_4, window_bounds = array<i64: 128, 64>}, {pipeline_mode = #tpu.pipeline_mode<synchronous>, transform_indices = @transform_5, window_bounds = array<i64: 64>}, {pipeline_mode = #tpu.pipeline_mode<synchronous>, transform_indices = @transform_6, window_bounds = array<i64: 64, 128>}, {pipeline_mode = #tpu.pipeline_mode<synchronous>, transform_indices = @transform_7, window_bounds = array<i64: 128>}, {pipeline_mode = #tpu.pipeline_mode<synchronous>, transform_indices = @transform_8, window_bounds = array<i64: 64, 128>}, {pipeline_mode = #tpu.pipeline_mode<synchronous>, transform_indices = @transform_9, window_bounds = array<i64: 128>}, {transform_indices = @transform_10, window_bounds = array<i64: 1000, 128>}, {transform_indices = @transform_11, window_bounds = array<i64: 1000, 128>}]} {
    %get3A = arith.constant 0 : index
    %get3A_0 = arith.constant 0 : index
    %get3A_1 = vector.load %arg1[%get3A, %get3A_0] : memref<1000x128xf32, #tpu.memory_space<vmem>>, vector<1000x128xf32>
    %get3A_2 = arith.constant 0 : index
    %get3A_3 = arith.constant 0 : index
    %get3A_4 = vector.load %arg3[%get3A_2, %get3A_3] : memref<128x64xf32, #tpu.memory_space<vmem>>, vector<128x64xf32>
    %dot_general3A = arith.constant dense<0.000000e+00> : vector<1000x64xf32>
    %dot_general3A_5 = tpu.matmul %get3A_1, %get3A_4, %dot_general3A {dimension_numbers = #tpu.dot_dimension_numbers<[1], [0], [0], [1], [0, 0, 1, 1], [], []>, transpose_lhs_hint = false} : vector<1000x128xf32>, vector<128x64xf32>, vector<1000x64xf32> -> vector<1000x64xf32>
    %get3A_6 = arith.constant 0 : index
    %get3A_7 = vector.load %arg4[%get3A_6] : memref<64xf32, #tpu.memory_space<vmem>>, vector<64xf32>
    %broadcast_in_dim3A = vector.shape_cast %get3A_7 : vector<64xf32> to vector<1x64xf32>
    %add3A = vector.broadcast %broadcast_in_dim3A : vector<1x64xf32> to vector<1000x64xf32>
    %add3A_8 = arith.addf %dot_general3A_5, %add3A : vector<1000x64xf32>
    %gt3A = arith.constant 0.000000e+00 : f32
    %gt3A_9 = vector.broadcast %gt3A : f32 to vector<1000x64xf32>
    %gt3A_10 = arith.cmpf ogt, %add3A_8, %gt3A_9 : vector<1000x64xf32>
    %exp3A = math.exp %add3A_8 : vector<1000x64xf32>
    %sub3A = arith.constant 1.000000e+00 : f32
    %sub3A_11 = vector.broadcast %sub3A : f32 to vector<1000x64xf32>
    %sub3A_12 = arith.subf %exp3A, %sub3A_11 : vector<1000x64xf32>
    %select_n3A = arith.select %gt3A_10, %add3A_8, %sub3A_12 : vector<1000x64xi1>, vector<1000x64xf32>
    %get3A_13 = arith.constant 0 : index
    %get3A_14 = arith.constant 0 : index
    %get3A_15 = vector.load %arg2[%get3A_13, %get3A_14] : memref<1000x128xf32, #tpu.memory_space<vmem>>, vector<1000x128xf32>
    %get3A_16 = arith.constant 0 : index
    %get3A_17 = arith.constant 0 : index
    %get3A_18 = vector.load %arg5[%get3A_16, %get3A_17] : memref<128x64xf32, #tpu.memory_space<vmem>>, vector<128x64xf32>
    %dot_general3A_19 = arith.constant dense<0.000000e+00> : vector<1000x64xf32>
    %dot_general3A_20 = tpu.matmul %get3A_15, %get3A_18, %dot_general3A_19 {dimension_numbers = #tpu.dot_dimension_numbers<[1], [0], [0], [1], [0, 0, 1, 1], [], []>, transpose_lhs_hint = false} : vector<1000x128xf32>, vector<128x64xf32>, vector<1000x64xf32> -> vector<1000x64xf32>
    %get3A_21 = arith.constant 0 : index
    %get3A_22 = vector.load %arg6[%get3A_21] : memref<64xf32, #tpu.memory_space<vmem>>, vector<64xf32>
    %broadcast_in_dim3A_23 = vector.shape_cast %get3A_22 : vector<64xf32> to vector<1x64xf32>
    %add3A_24 = vector.broadcast %broadcast_in_dim3A_23 : vector<1x64xf32> to vector<1000x64xf32>
    %add3A_25 = arith.addf %dot_general3A_20, %add3A_24 : vector<1000x64xf32>
    %gt3A_26 = arith.constant 0.000000e+00 : f32
    %gt3A_27 = vector.broadcast %gt3A_26 : f32 to vector<1000x64xf32>
    %gt3A_28 = arith.cmpf ogt, %add3A_25, %gt3A_27 : vector<1000x64xf32>
    %exp3A_29 = math.exp %add3A_25 : vector<1000x64xf32>
    %sub3A_30 = arith.constant 1.000000e+00 : f32
    %sub3A_31 = vector.broadcast %sub3A_30 : f32 to vector<1000x64xf32>
    %sub3A_32 = arith.subf %exp3A_29, %sub3A_31 : vector<1000x64xf32>
    %select_n3A_33 = arith.select %gt3A_28, %add3A_25, %sub3A_32 : vector<1000x64xi1>, vector<1000x64xf32>
    %get3A_34 = arith.constant 0 : index
    %get3A_35 = arith.constant 0 : index
    %get3A_36 = vector.load %arg7[%get3A_34, %get3A_35] : memref<64x128xf32, #tpu.memory_space<vmem>>, vector<64x128xf32>
    %dot_general3A_37 = arith.constant dense<0.000000e+00> : vector<1000x128xf32>
    %dot_general3A_38 = tpu.matmul %select_n3A, %get3A_36, %dot_general3A_37 {dimension_numbers = #tpu.dot_dimension_numbers<[1], [0], [0], [1], [0, 0, 1, 1], [], []>, transpose_lhs_hint = false} : vector<1000x64xf32>, vector<64x128xf32>, vector<1000x128xf32> -> vector<1000x128xf32>
    %get3A_39 = arith.constant 0 : index
    %get3A_40 = vector.load %arg8[%get3A_39] : memref<128xf32, #tpu.memory_space<vmem>>, vector<128xf32>
    %broadcast_in_dim3A_41 = vector.shape_cast %get3A_40 : vector<128xf32> to vector<1x128xf32>
    %add3A_42 = vector.broadcast %broadcast_in_dim3A_41 : vector<1x128xf32> to vector<1000x128xf32>
    %add3A_43 = arith.addf %dot_general3A_38, %add3A_42 : vector<1000x128xf32>
    %swap3A = arith.constant 0 : index
    %swap3A_44 = arith.constant 0 : index
    %swap3A_45 = vector.load %arg11[%swap3A, %swap3A_44] : memref<1000x128xf32, #tpu.memory_space<vmem>>, vector<1000x128xf32>
    tpu.vector_store %arg11[%swap3A, %swap3A_44], %add3A_43 {strides = array<i32>} : memref<1000x128xf32, #tpu.memory_space<vmem>>, vector<1000x128xf32>,
    %get3A_46 = arith.constant 0 : index
    %get3A_47 = arith.constant 0 : index
    %get3A_48 = vector.load %arg9[%get3A_46, %get3A_47] : memref<64x128xf32, #tpu.memory_space<vmem>>, vector<64x128xf32>
    %dot_general3A_49 = arith.constant dense<0.000000e+00> : vector<1000x128xf32>
    %dot_general3A_50 = tpu.matmul %select_n3A_33, %get3A_48, %dot_general3A_49 {dimension_numbers = #tpu.dot_dimension_numbers<[1], [0], [0], [1], [0, 0, 1, 1], [], []>, transpose_lhs_hint = false} : vector<1000x64xf32>, vector<64x128xf32>, vector<1000x128xf32> -> vector<1000x128xf32>
    %get3A_51 = arith.constant 0 : index
    %get3A_52 = vector.load %arg10[%get3A_51] : memref<128xf32, #tpu.memory_space<vmem>>, vector<128xf32>
    %broadcast_in_dim3A_53 = vector.shape_cast %get3A_52 : vector<128xf32> to vector<1x128xf32>
    %add3A_54 = vector.broadcast %broadcast_in_dim3A_53 : vector<1x128xf32> to vector<1000x128xf32>
    %add3A_55 = arith.addf %dot_general3A_50, %add3A_54 : vector<1000x128xf32>
    %swap3A_56 = arith.constant 0 : index
    %swap3A_57 = arith.constant 0 : index
    %swap3A_58 = vector.load %arg12[%swap3A_56, %swap3A_57] : memref<1000x128xf32, #tpu.memory_space<vmem>>, vector<1000x128xf32>
    tpu.vector_store %arg12[%swap3A_56, %swap3A_57], %add3A_55 {strides = array<i32>} : memref<1000x128xf32, #tpu.memory_space<vmem>>, vector<1000x128xf32>,
    return
  }
  func.func @transform_0(%arg0: i32) -> (i32, i32) {
    %c0_i32 = arith.constant 0 : i32
    %c0_i32_0 = arith.constant 0 : i32
    return %arg0, %c0_i32 : i32, i32
  }
  func.func @transform_1(%arg0: i32) -> (i32, i32) {
    %c0_i32 = arith.constant 0 : i32
    %c0_i32_0 = arith.constant 0 : i32
    return %arg0, %c0_i32 : i32, i32
  }
  func.func @transform_2(%arg0: i32) -> (i32, i32) {
    %c0_i32 = arith.constant 0 : i32
    %c0_i32_0 = arith.constant 0 : i32
    %c0_i32_1 = arith.constant 0 : i32
    return %c0_i32, %c0_i32_0 : i32, i32
  }
  func.func @transform_3(%arg0: i32) -> i32 {
    %c0_i32 = arith.constant 0 : i32
    %c0_i32_0 = arith.constant 0 : i32
    return %c0_i32 : i32
  }
  func.func @transform_4(%arg0: i32) -> (i32, i32) {
    %c0_i32 = arith.constant 0 : i32
    %c0_i32_0 = arith.constant 0 : i32
    %c0_i32_1 = arith.constant 0 : i32
    return %c0_i32, %c0_i32_0 : i32, i32
  }
  func.func @transform_5(%arg0: i32) -> i32 {
    %c0_i32 = arith.constant 0 : i32
    %c0_i32_0 = arith.constant 0 : i32
    return %c0_i32 : i32
  }
  func.func @transform_6(%arg0: i32) -> (i32, i32) {
    %c0_i32 = arith.constant 0 : i32
    %c0_i32_0 = arith.constant 0 : i32
    %c0_i32_1 = arith.constant 0 : i32
    return %c0_i32, %c0_i32_0 : i32, i32
  }
  func.func @transform_7(%arg0: i32) -> i32 {
    %c0_i32 = arith.constant 0 : i32
    %c0_i32_0 = arith.constant 0 : i32
    return %c0_i32 : i32
  }
  func.func @transform_8(%arg0: i32) -> (i32, i32) {
    %c0_i32 = arith.constant 0 : i32
    %c0_i32_0 = arith.constant 0 : i32
    %c0_i32_1 = arith.constant 0 : i32
    return %c0_i32, %c0_i32_0 : i32, i32
  }
  func.func @transform_9(%arg0: i32) -> i32 {
    %c0_i32 = arith.constant 0 : i32
    %c0_i32_0 = arith.constant 0 : i32
    return %c0_i32 : i32
  }
  func.func @transform_10(%arg0: i32) -> (i32, i32) {
    %c0_i32 = arith.constant 0 : i32
    %c0_i32_0 = arith.constant 0 : i32
    return %arg0, %c0_i32 : i32, i32
  }
  func.func @transform_11(%arg0: i32) -> (i32, i32) {
    %c0_i32 = arith.constant 0 : i32
    %c0_i32_0 = arith.constant 0 : i32
    return %arg0, %c0_i32 : i32, i32
  }
}

module attributes {stable_mosaic.version = 14 : i64} {
  func.func @_post_body(%arg0: i32, %arg1: memref<1000x128xf32, #tpu.memory_space<vmem>>, %arg2: memref<1000x128xf32, #tpu.memory_space<vmem>>, %arg3: memref<1000x2xf32, #tpu.memory_space<vmem>>, %arg4: memref<1000x2xf32, #tpu.memory_space<vmem>>, %arg5: memref<128xf32, #tpu.memory_space<vmem>>, %arg6: memref<128x32xf32, #tpu.memory_space<vmem>>, %arg7: memref<32xf32, #tpu.memory_space<vmem>>, %arg8: memref<1000x32xf32, #tpu.memory_space<vmem>>) attributes {dimension_semantics = [#tpu.dimension_semantics<arbitrary>], iteration_bounds = array<i64: 10>, scalar_prefetch = 0 : i64, scratch_operands = 0 : i64, tpu.core_type = #tpu.core_type<tc>, window_params = [{transform_indices = @transform_0, window_bounds = array<i64: 1000, 128>}, {transform_indices = @transform_1, window_bounds = array<i64: 1000, 128>}, {transform_indices = @transform_2, window_bounds = array<i64: 1000, 2>}, {transform_indices = @transform_3, window_bounds = array<i64: 1000, 2>}, {pipeline_mode = #tpu.pipeline_mode<synchronous>, transform_indices = @transform_4, window_bounds = array<i64: 128>}, {pipeline_mode = #tpu.pipeline_mode<synchronous>, transform_indices = @transform_5, window_bounds = array<i64: 128, 32>}, {pipeline_mode = #tpu.pipeline_mode<synchronous>, transform_indices = @transform_6, window_bounds = array<i64: 32>}, {transform_indices = @transform_7, window_bounds = array<i64: 1000, 32>}]} {
    %get3A = arith.constant 0 : index
    %get3A_0 = arith.constant 0 : index
    %get3A_1 = vector.load %arg1[%get3A, %get3A_0] : memref<1000x128xf32, #tpu.memory_space<vmem>>, vector<1000x128xf32>
    %get3A_2 = arith.constant 0 : index
    %get3A_3 = arith.constant 0 : index
    %get3A_4 = vector.load %arg2[%get3A_2, %get3A_3] : memref<1000x128xf32, #tpu.memory_space<vmem>>, vector<1000x128xf32>
    %add3A = arith.addf %get3A_1, %get3A_4 : vector<1000x128xf32>
    %get3A_5 = arith.constant 0 : index
    %get3A_6 = arith.constant 0 : index
    %get3A_7 = vector.load %arg3[%get3A_5, %get3A_6] : memref<1000x2xf32, #tpu.memory_space<vmem>>, vector<1000x2xf32>
    %get3A_8 = arith.constant 0 : index
    %get3A_9 = arith.constant 0 : index
    %get3A_10 = vector.load %arg4[%get3A_8, %get3A_9] : memref<1000x2xf32, #tpu.memory_space<vmem>>, vector<1000x2xf32>
    %add3A_11 = arith.addf %get3A_7, %get3A_10 : vector<1000x2xf32>
    %iota3A = tpu.iota {dimensions = array<i32: 0>} : vector<2x128xi32>
    %iota3A_12 = tpu.iota {dimensions = array<i32: 1>} : vector<2x128xi32>
    %eq3A = arith.constant 0 : i32
    %eq3A_13 = vector.broadcast %eq3A : i32 to vector<2x128xi32>
    %eq3A_14 = arith.cmpi eq, %iota3A, %eq3A_13 : vector<2x128xi32>
    %lt3A = arith.constant 64 : i32
    %lt3A_15 = vector.broadcast %lt3A : i32 to vector<2x128xi32>
    %lt3A_16 = arith.cmpi slt, %iota3A_12, %lt3A_15 : vector<2x128xi32>
    %eq3A_17 = arith.xori %eq3A_14, %lt3A_16 : vector<2x128xi1>
    %eq3A_18 = arith.constant dense<true> : vector<2x128xi1>
    %eq3A_19 = arith.xori %eq3A_17, %eq3A_18 : vector<2x128xi1>
    %jit3A = arith.constant 1.000000e+00 : f32
    %jit3A_20 = arith.constant 0.000000e+00 : f32
    %broadcast_in_dim3A = vector.broadcast %jit3A : f32 to vector<2x128xf32>
    %broadcast_in_dim3A_21 = vector.broadcast %jit3A_20 : f32 to vector<2x128xf32>
    %select_n3A = arith.select %eq3A_19, %broadcast_in_dim3A, %broadcast_in_dim3A_21 : vector<2x128xi1>, vector<2x128xf32>
    %dot_general3A = arith.constant dense<0.000000e+00> : vector<1000x128xf32>
    %dot_general3A_22 = tpu.matmul %add3A_11, %select_n3A, %dot_general3A {dimension_numbers = #tpu.dot_dimension_numbers<[1], [0], [0], [1], [0, 0, 1, 1], [], []>, transpose_lhs_hint = false} : vector<1000x2xf32>, vector<2x128xf32>, vector<1000x128xf32> -> vector<1000x128xf32>
    %add3A_23 = arith.constant 1.000000e-16 : f32
    %add3A_24 = vector.broadcast %add3A_23 : f32 to vector<1000x128xf32>
    %add3A_25 = arith.addf %dot_general3A_22, %add3A_24 : vector<1000x128xf32>
    %div3A = arith.divf %add3A, %add3A_25 : vector<1000x128xf32>
    %get3A_26 = arith.constant 0 : index
    %get3A_27 = vector.load %arg5[%get3A_26] : memref<128xf32, #tpu.memory_space<vmem>>, vector<128xf32>
    %broadcast_in_dim3A_28 = vector.shape_cast %get3A_27 : vector<128xf32> to vector<1x128xf32>
    %add3A_29 = vector.broadcast %broadcast_in_dim3A_28 : vector<1x128xf32> to vector<1000x128xf32>
    %add3A_30 = arith.addf %div3A, %add3A_29 : vector<1000x128xf32>
    %gt3A = arith.constant 0.000000e+00 : f32
    %gt3A_31 = vector.broadcast %gt3A : f32 to vector<1000x128xf32>
    %gt3A_32 = arith.cmpf ogt, %add3A_30, %gt3A_31 : vector<1000x128xf32>
    %exp3A = math.exp %add3A_30 : vector<1000x128xf32>
    %sub3A = arith.constant 1.000000e+00 : f32
    %sub3A_33 = vector.broadcast %sub3A : f32 to vector<1000x128xf32>
    %sub3A_34 = arith.subf %exp3A, %sub3A_33 : vector<1000x128xf32>
    %select_n3A_35 = arith.select %gt3A_32, %add3A_30, %sub3A_34 : vector<1000x128xi1>, vector<1000x128xf32>
    %get3A_36 = arith.constant 0 : index
    %get3A_37 = arith.constant 0 : index
    %get3A_38 = vector.load %arg6[%get3A_36, %get3A_37] : memref<128x32xf32, #tpu.memory_space<vmem>>, vector<128x32xf32>
    %dot_general3A_39 = arith.constant dense<0.000000e+00> : vector<1000x32xf32>
    %dot_general3A_40 = tpu.matmul %select_n3A_35, %get3A_38, %dot_general3A_39 {dimension_numbers = #tpu.dot_dimension_numbers<[1], [0], [0], [1], [0, 0, 1, 1], [], []>, transpose_lhs_hint = false} : vector<1000x128xf32>, vector<128x32xf32>, vector<1000x32xf32> -> vector<1000x32xf32>
    %get3A_41 = arith.constant 0 : index
    %get3A_42 = vector.load %arg7[%get3A_41] : memref<32xf32, #tpu.memory_space<vmem>>, vector<32xf32>
    %broadcast_in_dim3A_43 = vector.shape_cast %get3A_42 : vector<32xf32> to vector<1x32xf32>
    %add3A_44 = vector.broadcast %broadcast_in_dim3A_43 : vector<1x32xf32> to vector<1000x32xf32>
    %add3A_45 = arith.addf %dot_general3A_40, %add3A_44 : vector<1000x32xf32>
    %swap3A = arith.constant 0 : index
    %swap3A_46 = arith.constant 0 : index
    %swap3A_47 = vector.load %arg8[%swap3A, %swap3A_46] : memref<1000x32xf32, #tpu.memory_space<vmem>>, vector<1000x32xf32>
    tpu.vector_store %arg8[%swap3A, %swap3A_46], %add3A_45 {strides = array<i32>} : memref<1000x32xf32, #tpu.memory_space<vmem>>, vector<1000x32xf32>,
    return
  }
  func.func @transform_0(%arg0: i32) -> (i32, i32) {
    %c0_i32 = arith.constant 0 : i32
    %c0_i32_0 = arith.constant 0 : i32
    return %arg0, %c0_i32 : i32, i32
  }
  func.func @transform_1(%arg0: i32) -> (i32, i32) {
    %c0_i32 = arith.constant 0 : i32
    %c0_i32_0 = arith.constant 0 : i32
    return %arg0, %c0_i32 : i32, i32
  }
  func.func @transform_2(%arg0: i32) -> (i32, i32) {
    %c0_i32 = arith.constant 0 : i32
    %c0_i32_0 = arith.constant 0 : i32
    return %arg0, %c0_i32 : i32, i32
  }
  func.func @transform_3(%arg0: i32) -> (i32, i32) {
    %c0_i32 = arith.constant 0 : i32
    %c0_i32_0 = arith.constant 0 : i32
    return %arg0, %c0_i32 : i32, i32
  }
  func.func @transform_4(%arg0: i32) -> i32 {
    %c0_i32 = arith.constant 0 : i32
    %c0_i32_0 = arith.constant 0 : i32
    return %c0_i32 : i32
  }
  func.func @transform_5(%arg0: i32) -> (i32, i32) {
    %c0_i32 = arith.constant 0 : i32
    %c0_i32_0 = arith.constant 0 : i32
    %c0_i32_1 = arith.constant 0 : i32
    return %c0_i32, %c0_i32_0 : i32, i32
  }
  func.func @transform_6(%arg0: i32) -> i32 {
    %c0_i32 = arith.constant 0 : i32
    %c0_i32_0 = arith.constant 0 : i32
    return %c0_i32 : i32
  }
  func.func @transform_7(%arg0: i32) -> (i32, i32) {
    %c0_i32 = arith.constant 0 : i32
    %c0_i32_0 = arith.constant 0 : i32
    return %arg0, %c0_i32 : i32, i32
  }
}

</mosaic_0001>

<sc_bundles>
// kernel: kernel.5.cloned.1.call-start
scs
__scs_entry_jumppad:
0x0: {  	(pc) =	sbr.rel $0x88, $3  }
0x1: {  	(tag) =	ssettag $0x0;
	lr =	simm.s32 $0x1  }
0x2: {  	[smem:$0x3F92] =	sst lr;
	_ =	strace $0xD0000000  }
0x3: {  	_ = 	snop  }
0x4: {  	_ = 	snop  }
0x5: {  	_ = 	snop  }
0x6: {  	_ = 	snop  }
0x7: {  	_ = 	snop  }
__scs_overlays_trampoline_lowered:
0x8: {  	[smem:$0x3FA1] =	sst s0  }
0x9: {  	[smem:$0x3FA2] =	sst s1  }
0xa: {  	[smem:$0x3FA3] =	sst s2  }
0xb: {  	[smem:$0x3FA4] =	sst s3  }
0xc: {  	[smem:$0x3FA5] =	sst s4  }
0xd: {  	[smem:$0x3FA6] =	sst s5  }
0xe: {  	[smem:$0x3FA7] =	sst s6  }
0xf: {  	[smem:$0x3FA8] =	sst s7  }
0x10: {  	[smem:$0x3FA9] =	sst s8  }
0x11: {  	[smem:$0x3FAA] =	sst s9;
	s0 =	simm.s32 @!p0 $0x0  }
0x12: {  	s1 =	sld [smem:$0x3F90];
	s0 =	simm.s32 @p0 $0x1  }
0x13: {  	[smem:$0x3FAB] =	sst s0;
	s0 =	simm.s32 @!p1 $0x0  }
0x14: {  	s2 =	sld [smem:$0x3F8F];
	s0 =	simm.s32 @p1 $0x1  }
0x15: {  	[smem:$0x3FAC] =	sst s0;
	s0 =	simm.s32 @!p2 $0x0  }
0x16: {  	s3 =	sld [smem:$0x3FDB];
	s0 =	simm.s32 @p2 $0x1  }
0x17: {  	s4 =	simm.s32 $0x1BF5;
	[smem:$0x3FAE] =	sst s0  }
0x18: {  	s0 =	sld [smem:$0x3F91];
	_ =	swait.ge [sflag:s4], $0x0  }
0x19: {  	s7 =	sld [smem:$0x3F92]  }
0x1a: {  	s8 =	sadd.s32 $0xFFFFE003, lr  }
0x1b: {  	s9 =	sadd.s32 $0xFFFFFEF7, lr;
	s5 =	simm.s32 $0xFFFFFFFF;
	p2 =	slt.u32 s8, $0xFFFFF086  }
0x1c: {  	p1 =	slt.u32 s9, $0xF7A;
	s5 =	simm.s32 @!p2 $0x0  }
0x1d: {  	s5 =	simm.s32 @p1 $0x1;
	p0 =	seq.s32 s7, s2  }
0x1e: {  	s7 =	smul.u32 @!p0 $0xF7A, s2;
	p2 =	seq.s32 @!p0 s5, $0x0  }
0x1f: {  	s9 =	smul.u32 $0xF7A, s1;
	s8 =	simm.s32 @!p0 $0x1BF5;
	p2 =	por !p2, p0  }
0x20: {  	[sflag:s8] =	ssyncset.s32 @!p0 $0xFFFFF086;
	s6 =	sadd.s32 @!p0 s3, s7;
	s7 =	simm.s32 @!p0 $0x108  }
0x21: {  	s3 =	sadd.s32 s3, s9;
	s6 =	sadd.s32 @!p0 $0x88, s6;
	s7 =	simm.s32 @p2 $0x1082  }
0x22: {  	[simem:s7], [sflag:s8] =	dma.local @!p0 [hbm:s6], $0xF7A  }
0x23: {  	s9 =	sor.u32 $0xD0000000, s2;
	s6 =	simm.s32 $0x108;
	_ =	swait.ge @!p0 [sflag:s8], $0x0  }
0x24: {  	s3 =	sadd.s32 $0x88, s3;
	s6 =	simm.s32 @!p1 $0x1082;
	[sflag:s4] =	ssyncset.s32 $0xFFFFF086  }
0x25: {  	[simem:s6], [sflag:s4] =	dma.local [hbm:s3], $0xF7A  }
0x26: {  	[smem:$0x3F92] =	sst s1;
	(tag) =	ssettag s2;
	_ =	strace s9  }
0x27: {  	s1 =	sld [smem:$0x3FA2]  }
0x28: {  	s2 =	sld [smem:$0x3FA3]  }
0x29: {  	s4 =	sld [smem:$0x3FA5]  }
0x2a: {  	p0 =	seq.s32 s5, $0x0;
	s5 =	sld [smem:$0x3FA6]  }
0x2b: {  	s6 =	sld [smem:$0x3FA7]  }
0x2c: {  	s7 =	sld [smem:$0x3FA8]  }
0x2d: {  	s3 =	simm.s32 $0x108;
	s8 =	sld [smem:$0x3FA9]  }
0x2e: {  	s3 =	simm.s32 @!p0 $0x1082;
	s9 =	sld [smem:$0x3FAA]  }
0x2f: {  	lr =	sadd.s32 s0, s3;
	s0 =	sld [smem:$0x3FA1]  }
0x30: {  	s3 =	sld [smem:$0x3FA4]  }
0x31: {  	[smem:$0x3FAD] =	sst s10  }
0x32: {  	s10 =	sld [smem:$0x3FAB];
	_ =	sdelay $0x3  }
0x33: {  	p0 =	seq.s32 s10, $0x1;
	s10 =	sld [smem:$0x3FAD];
	_ =	sdelay $0x3  }
0x34: {  	[smem:$0x3FAD] =	sst s10  }
0x35: {  	s10 =	sld [smem:$0x3FAC];
	_ =	sdelay $0x3  }
0x36: {  	p1 =	seq.s32 s10, $0x1;
	s10 =	sld [smem:$0x3FAD];
	_ =	sdelay $0x3  }
0x37: {  	[smem:$0x3FAD] =	sst s10  }
0x38: {  	s10 =	sld [smem:$0x3FAE]  }
0x39: {  	_ = 	snop;
	(pc) =	sbr.ind lr, $3  }
0x3a: {  	_ = 	snop  }
0x3b: {  	_ = 	snop  }
0x3c: {  	p2 =	seq.s32 s10, $0x1;
	s10 =	sld [smem:$0x3FAD]  }
0x3d: {  	_ =	shalt  }
0x3e: {  	_ =	shalt  }
0x3f: {  	_ =	shalt  }
0x40: {  	_ =	shalt  }
0x41: {  	_ =	shalt  }
0x42: {  	_ =	shalt  }
0x43: {  	_ =	shalt  }
0x44: {  	_ =	shalt  }
0x45: {  	_ =	shalt  }
0x46: {  	_ =	shalt  }
0x47: {  	_ =	shalt  }
0x48: {  	_ =	shalt  }
0x49: {  	_ =	shalt  }
0x4a: {  	_ =	shalt  }
0x4b: {  	_ =	shalt  }
0x4c: {  	_ =	shalt  }
0x4d: {  	_ =	shalt  }
0x4e: {  	_ =	shalt  }
0x4f: {  	_ =	shalt  }
0x50: {  	_ =	shalt  }
0x51: {  	_ =	shalt  }
0x52: {  	_ =	shalt  }
0x53: {  	_ =	shalt  }
0x54: {  	_ =	shalt  }
0x55: {  	_ =	shalt  }
0x56: {  	_ =	shalt  }
0x57: {  	_ =	shalt  }
0x58: {  	_ =	shalt  }
0x59: {  	_ =	shalt  }
0x5a: {  	_ =	shalt  }
0x5b: {  	_ =	shalt  }
0x5c: {  	_ =	shalt  }
0x5d: {  	_ =	shalt  }
0x5e: {  	_ =	shalt  }
0x5f: {  	_ =	shalt  }
0x60: {  	_ =	shalt  }
0x61: {  	_ =	shalt  }
0x62: {  	_ =	shalt  }
0x63: {  	_ =	shalt  }
0x64: {  	_ =	shalt  }
0x65: {  	_ =	shalt  }
0x66: {  	_ =	shalt  }
0x67: {  	_ =	shalt  }
0x68: {  	_ =	shalt  }
0x69: {  	_ =	shalt  }
0x6a: {  	_ =	shalt  }
0x6b: {  	_ =	shalt  }
0x6c: {  	_ =	shalt  }
0x6d: {  	_ =	shalt  }
0x6e: {  	_ =	shalt  }
0x6f: {  	_ =	shalt  }
0x70: {  	_ =	shalt  }
0x71: {  	_ =	shalt  }
0x72: {  	_ =	shalt  }
0x73: {  	_ =	shalt  }
0x74: {  	_ =	shalt  }
0x75: {  	_ =	shalt  }
0x76: {  	_ =	shalt  }
0x77: {  	_ =	shalt  }
0x78: {  	_ =	shalt  }
0x79: {  	_ =	shalt  }
0x7a: {  	_ =	shalt  }
0x7b: {  	_ =	shalt  }
0x7c: {  	_ =	shalt  }
0x7d: {  	_ =	shalt  }
0x7e: {  	_ =	shalt  }
0x7f: {  	_ =	shalt  }
0x80: {  	_ =	shalt  }
0x81: {  	_ =	shalt  }
0x82: {  	_ =	shalt  }
0x83: {  	_ =	shalt  }
0x84: {  	_ =	shalt  }
0x85: {  	_ =	shalt  }
0x86: {  	_ =	shalt  }
0x87: {  	_ =	shalt  }
.Lfunc_end0:
.L_simem_size_0:
called_computation_lowered:
.L_overlay_start_0:
0x88: {  	s2 =	sld [smem:$0x3FD9]  }
0x89: {  	s3 =	sld [smem:$0x3FFE];
	_ =	sdelay $0x1  }
0x8a: {  	s1 =	srdreg.scid  }
0x8b: {  	s0 =	sand.u32 $0x1, s1  }
0x8c: {  	s17 =	sshll.u32 s0, $0xA;
	s2 =	sadd.s32 s3, s2  }
0x8d: {  	s2 =	sadd.s32 s2, s17  }
0x8e: {  	[smem:$0x3FB9] =	sst s2  }
0x8f: {  	_ = 	snop  }
0x90: {  	s2 =	sld [smem:$0x3FD0];
	(tm) =	ssettm $0x1  }
0x91: {  	s18 =	sld [smem:$0x3FFB];
	_ =	sdelay $0x3  }
0x92: {  	_ =	strace s18  }
0x93: {  	s3 =	sld [smem:$0x3FFC];
	_ =	sdelay $0x3  }
0x94: {  	_ =	strace s3  }
0x95: {  	s3 =	sld [smem:$0x3FFD];
	_ =	sdelay $0x3  }
0x96: {  	_ =	strace s3  }
0x97: {  	_ =	strace $0x8FFFFFFF  }
0x98: {  	s19 =	sld [smem:$0x3FDB];
	_ =	sdelay $0x1  }
0x99: {  	s4 =	simm.s32 $_scs_section_size  }
0x9a: {  	s5 =	simm.s32 $_size__tile_overlayer_lowered;
	s6 =	simm.s32 $_tile_overlayer_lowered  }
0x9b: {  	s22 =	simm.s32 $0x1BFF;
	s21 =	sshll.u32 s6, $0x1;
	s3 =	sadd.s32 s4, s19  }
0x9c: {  	s7 =	simm.s32 $0x0;
	s20 =	sshll.u32 s5, $0x1;
	s5 =	sadd.s32 s21, s3  }
0x9d: {  	[timem:s7], [sflag:s22] =	dma.local [hbm:s5], s20  }
0x9e: {  	_ =	swait.ge [sflag:s22], s20  }
0x9f: {  	s4 =	ssub.s32 $0x0, s20;
	[sflag:s22] =	ssyncset.done $0x0  }
0xa0: {  	[sflag:s22] =	ssyncadd.s32 s4;
	_ =	sdelay $0x1  }
0xa1: {  	s23 =	simm.s32 $0x1B8B  }
0xa2: {  	_ =	swait.ge [sflag:s23], $0x1  }
0xa3: {  	[sflag:s23] =	ssyncset.done $0x0  }
0xa4: {  	s25 =	simm.s32 $0x1B8E;
	s24 =	sld [smem:$0x3FFE];
	[sflag:s23] =	ssyncadd.s32 $0xFFFFFFFF  }
0xa5: {  	s26 =	simm.s32 $execute0_lowered;
	[smem:$0x3FD2] =	sst s25  }
0xa6: {  	s5 =	sshll.u32 s26, $0x1;
	_ =	strace $0x80000046;
	[dreg:$0x1] =	wrdreg $0xFFFFFFFF  }
0xa7: {  	s28 =	simm.s32 $_size_execute0_lowered;
	s3 =	sadd.s32 s3, s5;
	[dreg:$0x0] =	wrdreg $0x0  }
0xa8: {  	s5 =	sshll.u32 s28, $0x1;
	[dreg:$0x2] =	wrdreg s3  }
0xa9: {  	[dreg:$0x3] =	wrdreg s5  }
0xaa: {  	[dreg:$0x4] =	wrdreg $0xC0  }
0xab: {  	_ =	task [dreg:s7], $0x5FFFF  }
0xac: {  	[dreg:$0x1] =	wrdreg $0xFFFFFFFF  }
0xad: {  	[dreg:$0x0] =	wrdreg $0x60  }
0xae: {  	[dreg:$0x2] =	wrdreg s24  }
0xaf: {  	[dreg:$0x3] =	wrdreg s2  }
0xb0: {  	[dreg:$0x4] =	wrdreg $0x0  }
0xb1: {  	[dreg:$0x5] =	wrdreg $0x13C000  }
0xb2: {  	[dreg:$0x6] =	wrdreg $0x9  }
0xb3: {  	_ =	task.clear_ibuf [dreg:s7], $0x7FFFF;
	_ =	strace $0x90000046  }
0xb4: {  	s29 =	simm.s32 $0x9;
	_ =	strace $0x80000048  }
0xb5: {  	_ =	swait.ge [sflag:s29], $0x1  }
0xb6: {  	[sflag:s29] =	ssyncadd.s32 $0xFFFFFFFF  }
0xb7: {  	_ =	strace $0x90000048  }
0xb8: {  	_ =	sfence  }
0xb9: {  	s30 =	sld [smem:$0x0];
	_ =	sdelay $0x2  }
0xba: {  	s31 =	sshll.u32 s1, $0xD;
	s1 =	sshrl.u32 s1, $0x2  }
0xbb: {  	s3 =	sand.u32 $0x4000, s31;
	s1 =	sadd.s32 s1, s30  }
0xbc: {  	s0 =	sor.u32 s3, s0;
	s1 =	sshll.u32 s1, $0x11  }
0xbd: {  	s0 =	sor.u32 s1, s0  }
0xbe: {  	s0 =	sadd.s32 $0x8F2B, s0  }
0xbf: {  	[sflag:s0] =	ssyncadd.remote.s32 $0x1  }
0xc0: {  	_ =	sfence.sel $0xFFFF  }
0xc1: {  	[dreg:$0x0] =	wrdreg $0xFFFFFFFF;
	(pc) =	sbr.abs _section_cstart, $3  }
0xc2: {  	[dreg:$0x1] =	wrdreg $0xFFFFFFFF  }
0xc3: {  	_ =	task.clear_ibuf [dreg:s7], $0x2FFFF;
	_ =	strace $0x9FFFFFFF  }
0xc4: {  	(tm) =	ssettm $0x7FFFFFFF  }
0xc5: {  	_ =	shalt  }
tec
execute0_lowered:
.L_overlay_start_1:
0x0: {  	(tag) =	ssettag $0x1  }
0x1: {  	s0 =	rddreg [dreg:$0x0]  }
0x2: {  	s3 =	rddreg [dreg:$0x1]  }
0x3: {  	s1 =	rddreg [dreg:$0x2]  }
0x4: {  	s2 =	rddreg [dreg:$0x3];
	s4 =	simm.s32 $0x0  }
0x5: {  	s5 =	srdreg.scid;
	s8 =	stileid.u32;
	s28 =	simm.s32 $0x17300  }
0x6: {  	s29 =	simm.s32 $0x1;
	s30 =	simm.s32 $0x3;
	s31 =	simm.s32 $0x14180  }
0x7: {  	s16 =	simm.s32 $0x4;
	s18 =	simm.s32 $0x0;
	[smem:$0x7FF] =	sst s4  }
0x8: {  	s4 =	sadd.s32 $0x2200, s0;
	s9 =	sand.u32 $0x1, s5;
	s10 =	smul.u32 $0x2780, s8  }
0x9: {  	s5 =	sadd.s32 $0x29A00, s0;
	s6 =	sadd.s32 $0x51400, s0;
	s7 =	sadd.s32 $0x5B600, s0  }
0xa: {  	s12 =	sadd.s32 $0x51200, s0;
	s15 =	sadd.s32 $0x65800, s0;
	s19 =	sshll.u32 s8, $0x1  }
0xb: {  	s13 =	smul.u32 $0x4F000, s8;
	s21 =	sshll.u32 s8, $0x6;
	p0 =	sne.s32 s8, $0x0  }
0xc: {  	_ =	strace $0x80000047;
	s11 =	smul.u32 $0x27800, s9;
	[dreg:$0x5] =	wrdreg s12  }
0xd: {  	s20 =	ssub.s32 $0x2, s9;
	s12 =	sor.u32 s9, s19;
	s17 =	sor.u32 $0x1C05, s21  }
0xe: {  	s9 =	smul.u32 $0xA00, s9;
	[dreg:$0x6] =	wrdreg s15;
	s14 =	sshrl.u32 s20, $0x1  }
0xf: {  	v0 =	vimm.s32 $0xFEDCBA98;
	v1 =	vimm.s32 $0x76543210;
	s13 =	sshrl.u32 s13, $0x2;
	s12 =	smul.u32 $0x2880, s12;
	[dreg:$0x7] =	wrdreg s17  }
0x10: {  	v2 =	vimm.s32 $0xBA98FEDC;
	v3 =	vimm.s32 $0x32107654;
	v4 =	vimm.s32 $0xDCFE98BA;
	s11 =	sadd.s32 s10, s11;
	s13 =	sadd.s32 s13, s1;
	s10 =	sadd.s32 s15, s10  }
0x11: {  	v5 =	vimm.s32 $0x54761032;
	v6 =	vimm.s32 $0xEFCDAB89;
	v7 =	vimm.s32 $0x67452301;
	s25 =	sadd.s32 s3, s9;
	s9 =	simm.s32 $0x2;
	s0 =	sadd.s32 s11, s0  }
0x12: {  	v0 =	vunpack.c.l.s4.s8 v0;
	v1 =	vunpack.c.l.s4.s8 v1;
	v2 =	vunpack.c.l.s4.s8 v2;
	s11 =	ssub.s32 s20, s14;
	s22 =	sshrl.u32 s12, $0x3;
	[dreg:$0x8] =	wrdreg s10  }
0x13: {  	v3 =	vunpack.c.l.s4.s8 v3;
	v4 =	vunpack.c.l.s4.s8 v4;
	v5 =	vunpack.c.l.s4.s8 v5;
	s14 =	sor.u32 $0x30, s12;
	[dreg:$0xc] =	wrdreg s25;
	s8 =	sshrl.u32 s13, $0x3  }
0x14: {  	v6 =	vunpack.c.l.s4.s8 v6;
	v7 =	vunpack.c.l.s4.s8 v7;
	v0 =	vunpack.c.0.s8.s32 v0;
	s15 =	sor.u32 $0x60, s12;
	s10 =	sshrl.u32 @!p0 s2, $0x3;
	[dreg:$0xe] =	wrdreg s8  }
0x15: {  	v2 =	vunpack.c.0.s8.s32 v2;
	v3 =	vunpack.c.0.s8.s32 v3;
	v4 =	vunpack.c.0.s8.s32 v4;
	s20 =	simm.s32 $0x5;
	s23 =	sadd.s32 s6, s22;
	[dreg:$0xf] =	wrdreg s10  }
0x16: {  	v5 =	vunpack.c.0.s8.s32 v5;
	v6 =	vunpack.c.0.s8.s32 v6;
	v7 =	vunpack.c.0.s8.s32 v7;
	s25 =	simm.s32 $0x30;
	s24 =	sadd.s32 s7, s22;
	[dreg:$0x9] =	wrdreg s23  }
0x17: {  	v1 =	vunpack.c.0.s8.s32 v1;
	v2 =	vcombine.low v3, v2;
	s12 =	simm.s32 $0x1D300;
	s0 =	sadd.s32 $0x8D000, s0;
	[dreg:$0xa] =	wrdreg s24  }
0x18: {  	v3 =	vcombine.low v5, v4;
	v4 =	vand.u32 $0xF, v0;
	v5 =	vcombine.low v7, v6;
	s13 =	simm.s32 $0x1BB00;
	s26 =	smax.u32 s11, $0x1;
	[dreg:$0xb] =	wrdreg s0  }
0x19: {  	v0 =	vimm.f32 $0.0e+00;
	v1 =	vcombine.low v4, v1;
	s11 =	simm.s32 $0x1A300;
	[dreg:$0xd] =	wrdreg s26;
	s23 =	simm.s32 $0x14100;
	v2 =	vand.u32 $0xF, v2  }
0x1a: {  	s24 =	simm.s32 $0x14200;
	s26 =	simm.s32 $0x14300;
	s0 =	simm.s32 $0x14280;
	v3 =	vand.u32 $0xF, v3;
	v4 =	vand.u32 $0xF, v5;
	v5 =	vlaneseq.u32  }
.LBB2_1:
0x1b: {  	[dreg:$0x10] =	wrdreg s18  }
0x1c: {  	s3 =	rddreg [dreg:$0x8]  }
0x1d: {  	[spmem:s8], [sflag:s17] =	dma.local [hbm:s3], $0x2780  }
0x1e: {  	_ =	swait.ge [sflag:s20], $0x2780  }
0x1f: {  	[sflag:s20] =	ssyncset.done $0x0  }
0x20: {  	s3 =	rddreg [dreg:$0x6];
	[sflag:s20] =	ssyncadd.s32 $0xFFFFD880  }
0x21: {  	[spmem:s10], [sflag:s17] =	dma.local @!p0 [hbm:s3], $0xA00  }
0x22: {  	s3 =	simm.s32 @!p0 $0x5  }
0x23: {  	_ =	swait.ge @!p0 [sflag:s3], $0xA00  }
0x24: {  	s19 =	simm.s32 $0x1D380;
	[sflag:s3] =	ssyncset.done @!p0 $0x0  }
0x25: {  	s17 =	simm.s32 $0x0;
	s18 =	rddreg [dreg:$0x5];
	[sflag:s3] =	ssyncadd.s32 @!p0 $0xFFFFF600  }
0x26: {  	[tilespmem:s19], [sflag:$0x5] =	stream.linear.gather [hbm4b:s18+s17], $0x80, $0x38;
	[tilespmem:$0x1D400] =	vst v63  }
0x27: {  	_ =	swait.ge [sflag:s20], $0x80  }
0x28: {  	[sflag:s20] =	ssyncset.done $0x0  }
0x29: {  	[sflag:s20] =	ssyncadd.s32 $0xFFFFFF80  }
0x2a: {  	[bflag:$0x0] =	sbarrier.arrive $0xFFFF  }
0x2b: {  	v6 =	vld [tilespmem:$0x1D380]  }
0x2c: {  	v7 =	vld [tilespmem:$0x1D390]  }
0x2d: {  	v8 =	vld [tilespmem:$0x1D3A0]  }
0x2e: {  	v9 =	vld [tilespmem:$0x1D3B0]  }
0x2f: {  	v10 =	vld [tilespmem:$0x1D3C0]  }
0x30: {  	v11 =	vld [tilespmem:$0x1D3D0]  }
0x31: {  	v12 =	vld [tilespmem:$0x1D3E0];
	s21 =	rddreg [dreg:$0x9]  }
0x32: {  	v13 =	vld [tilespmem:$0x1D3F0];
	[tilespmem:s23], [sflag:$0x5] =	stream.linear.gather [hbm4b:s21+s17], $0x30, $0x38  }
0x33: {  	_ =	swait.ge [sflag:s20], $0x30  }
0x34: {  	[sflag:s20] =	ssyncset.done $0x0  }
0x35: {  	s22 =	rddreg [dreg:$0xa];
	[sflag:s20] =	ssyncadd.s32 $0xFFFFFFD0  }
0x36: {  	[tilespmem:s24], [sflag:$0x5] =	stream.linear.gather [hbm4b:s22+s17], $0x30, $0x38;
	[tilespmem:$0x1D400] =	vst v63  }
0x37: {  	_ =	swait.ge [sflag:s20], $0x30  }
0x38: {  	[sflag:s20] =	ssyncset.done $0x0  }
0x39: {  	[sflag:s20] =	ssyncadd.s32 $0xFFFFFFD0  }
0x3a: {  	[tilespmem:s26], [sflag:$0x1] =	stream.indirect.gather [hbm4b:s4+s25], $0x80, s23, s25, $0xb8;
	[tilespmem:$0x1D400] =	vst v63  }
0x3b: {  	s18 =	simm.s32 $0x0  }
0x3c: {  	[tilespmem:s28], [sflag:$0x3] =	stream.indirect.gather [hbm4b:s5+s25], $0x80, s24, s25, $0xb8;
	[tilespmem:$0x1D400] =	vst v63  }
.LBB2_2:
0x3d: {  	_ =	swait.ge [sflag:s29], $0x1800  }
0x3e: {  	s3 =	smul.u32 $0x60, s18;
	[sflag:s29] =	ssyncset.done $0x0  }
0x3f: {  	[sflag:s29] =	ssyncadd.s32 $0xFFFFE800  }
0x40: {  	s3 =	sadd.s32 s3, s14;
	_ =	swait.ge [sflag:s30], $0x1800  }
0x41: {  	s3 =	sshrl.u32 s3, $0x3;
	[sflag:s30] =	ssyncset.done $0x0  }
0x42: {  	s19 =	simm.s32 $0x0;
	s10 =	sadd.s32 s6, s3;
	[sflag:s30] =	ssyncadd.s32 $0xFFFFE800  }
0x43: {  	[tilespmem:s31], [sflag:$0x5] =	stream.linear.gather [hbm4b:s10+s19], $0x30, $0x38;
	[tilespmem:$0x1D400] =	vst v63  }
0x44: {  	_ =	swait.ge [sflag:s20], $0x30  }
0x45: {  	[sflag:s20] =	ssyncset.done $0x0  }
0x46: {  	s3 =	sadd.s32 s7, s3;
	[sflag:s20] =	ssyncadd.s32 $0xFFFFFFD0  }
0x47: {  	[tilespmem:s0], [sflag:$0x5] =	stream.linear.gather [hbm4b:s3+s19], $0x30, $0x38;
	[tilespmem:$0x1D400] =	vst v63  }
0x48: {  	_ =	swait.ge [sflag:s20], $0x30  }
0x49: {  	[sflag:s20] =	ssyncset.done $0x0  }
0x4a: {  	s21 =	simm.s32 $0x15B00;
	[sflag:s20] =	ssyncadd.s32 $0xFFFFFFD0  }
0x4b: {  	[tilespmem:s21], [sflag:$0x2] =	stream.indirect.gather [hbm4b:s4+s25], $0x80, s31, s25, $0xb8;
	[tilespmem:$0x1D400] =	vst v63  }
0x4c: {  	s22 =	simm.s32 $0x18B00;
	s3 =	simm.s32 $0x0  }
0x4d: {  	[tilespmem:s22], [sflag:$0x4] =	stream.indirect.gather [hbm4b:s5+s25], $0x80, s0, s25, $0xb8;
	[tilespmem:$0x1D400] =	vst v63  }
0x4e: {  	v19 =	vld [tilespmem:s3+$0x17330]  }
0x4f: {  	v14 =	vld [tilespmem:s3+$0x14330]  }
0x50: {  	v21 =	vld [tilespmem:s3+$0x17300]  }
0x51: {  	v15 =	vld [tilespmem:s3+$0x14300]  }
0x52: {  	v22 =	vld [tilespmem:s3+$0x17340]  }
0x53: {  	v18 =	vld [tilespmem:s3+$0x14310]  }
0x54: {  	v23 =	vld [tilespmem:s3+$0x17310]  }
0x55: {  	v16 =	vld [tilespmem:s3+$0x14340]  }
0x56: {  	v24 =	vld [tilespmem:s3+$0x17320]  }
0x57: {  	v20 =	vld [tilespmem:s3+$0x14320]  }
0x58: {  	v17 =	vld [tilespmem:s3+$0x14350]  }
0x59: {  	v26 =	vld [tilespmem:s3+$0x17350];
	v21 =	vadd.f32 v21, v15;
	_ =	sdelay $0x1  }
0x5a: {  	v23 =	vadd.f32 v23, v18;
	v27 =	vmul.f32 $2.000000030e-01, v21  }
0x5b: {  	v30 =	vld [tilespmem:s3+$0x17360];
	v25 =	vadd.f32 v19, v14;
	v22 =	vadd.f32 v22, v16  }
0x5c: {  	v19 =	vld [tilespmem:s3+$0x14360];
	v24 =	vadd.f32 v24, v20;
	v29 =	vmul.f32 $2.000000030e-01, v23;
	v21 =	vmax.f32 v21, v27  }
0x5d: {  	v31 =	vld [tilespmem:s3+$0x17370];
	v26 =	vadd.f32 v26, v17;
	v28 =	vmul.f32 $2.000000030e-01, v25;
	v46 =	vmul.f32 v21, v6  }
0x5e: {  	v45 =	vmul.f32 $2.000000030e-01, v22;
	v47 =	vmul.f32 $2.000000030e-01, v24;
	v23 =	vmax.f32 v23, v29;
	v21 =	vld [tilespmem:s3+$0x14370]  }
0x5f: {  	v49 =	vmul.f32 $2.000000030e-01, v26;
	v23 =	vmul.f32 v23, v7;
	v48 =	vadd.f32 $0.0e+00, v46  }
0x60: {  	v25 =	vmax.f32 v25, v28;
	v22 =	vmax.f32 v22, v45;
	v24 =	vmax.f32 v24, v47  }
0x61: {  	v50 =	vadd.f32 v30, v19;
	v24 =	vmul.f32 v24, v8;
	v23 =	vadd.f32 v23, v48  }
0x62: {  	v26 =	vmax.f32 v26, v49;
	v22 =	vmul.f32 v22, v10;
	v53 =	vmul.f32 v25, v9  }
0x63: {  	v51 =	vmul.f32 $2.000000030e-01, v50;
	v52 =	vadd.f32 v31, v21;
	v23 =	vadd.f32 v24, v23  }
0x64: {  	v54 =	vmul.f32 v26, v11;
	v22 =	vadd.f32 $0.0e+00, v22  }
0x65: {  	v55 =	vmax.f32 v50, v51;
	v56 =	vmul.f32 $2.000000030e-01, v52;
	v23 =	vadd.f32 v53, v23  }
0x66: {  	v22 =	vadd.f32 v54, v22;
	v57 =	vmul.f32 v55, v12  }
0x67: {  	v58 =	vmax.f32 v52, v56;
	v59 =	vperm.xlane v23, v1  }
0x68: {  	v22 =	vadd.f32 v57, v22;
	v60 =	vmul.f32 v58, v13  }
0x69: {  	v23 =	vadd.f32 v59, v23  }
0x6a: {  	v22 =	vadd.f32 v60, v22  }
0x6b: {  	v61 =	vperm.xlane v23, v2  }
0x6c: {  	v62 =	vperm.xlane v22, v1  }
0x6d: {  	v23 =	vadd.f32 v61, v23  }
0x6e: {  	v22 =	vadd.f32 v62, v22  }
0x6f: {  	v24 =	vperm.xlane v23, v3  }
0x70: {  	v25 =	vperm.xlane v22, v2  }
0x71: {  	v23 =	vadd.f32 v24, v23  }
0x72: {  	v22 =	vadd.f32 v25, v22  }
0x73: {  	v24 =	vperm.xlane v23, v4  }
0x74: {  	v25 =	vperm.xlane v22, v3  }
0x75: {  	v23 =	vadd.f32 v24, v23  }
0x76: {  	v22 =	vadd.f32 v25, v22  }
0x77: {  	v23 =	vmul.f32 $1.442695020e+00, v23  }
0x78: {  	v63 =	vperm.xlane v22, v4  }
0x79: {  	(erf) = vpow2.f32 v23  }
0x7a: {  	s10 =	simm.s32 $0x200;
	s19 =	simm.s32 $0x14200;
	s21 =	simm.s32 $0x14200;
	v22 =	vadd.f32 v63, v22  }
.LBB2_3:
0x7b: {  	p1 =	sne.s32 s10, $0x5E00  }
0x7c: {  	s21 =	sadd.s32 $0x1, s21;
	s17 =	smov.u32 s10;
	s10 =	sadd.s32 $0x200, s10  }
0x7d: {  	v22 =	vmul.f32 $1.442695020e+00, v22;
	_ =	sdelay $0x1  }
0x7e: {  	(erf) = vpow2.f32 v22;
	_ =	sdelay $0x2  }
0x7f: {  	v22 =	vpop (erf)  }
0x80: {  	v18 =	vmul.f32 v22, v18;
	v14 =	vmul.f32 v22, v14  }
0x81: {  	v15 =	vmul.f32 v22, v15;
	_ =	sdelay $0x1  }
0x82: {  	v20 =	vmul.f32 v22, v20  }
0x83: {  	[tilespmem:s3+$0x1A310] =	vst v18  }
0x84: {  	[tilespmem:s3+$0x1A320] =	vst v20;
	v18 =	vpop (erf)  }
0x85: {  	[tilespmem:s3+$0x1A330] =	vst v14;
	v14 =	vmul.f32 v18, v16;
	v16 =	vmul.f32 v18, v17  }
0x86: {  	v17 =	vmul.f32 v18, v21;
	[tilespmem:s3+$0x1A300] =	vst v15;
	v15 =	vmul.f32 v18, v19  }
0x87: {  	s17 =	sshra.s32 s17, $0x2;
	[tilespmem:s3+$0x1A340] =	vst v14  }
0x88: {  	[tilespmem:s3+$0x1A360] =	vst v15  }
0x89: {  	[tilespmem:s3+$0x1A350] =	vst v16  }
0x8a: {  	[tilespmem:s3+$0x1A370] =	vst v17  }
0x8b: {  	v14 =	vld [tilespmem:s19+$0x0];
	s19 =	smov.u32 s21  }
0x8c: {  	[tilespmem:s3+$0x1BB00] =	vst v0  }
0x8d: {  	[tilespmem:s3+$0x1BB10] =	vst v0  }
0x8e: {  	[tilespmem:s3+$0x1BB20] =	vst v0  }
0x8f: {  	[tilespmem:s3+$0x1BB30] =	vst v0  }
0x90: {  	[tilespmem:s3+$0x1BB40] =	vst v0;
	(v2sf) =	vpush v14, $0x0  }
0x91: {  	[tilespmem:s3+$0x1BB50] =	vst v0  }
0x92: {  	[tilespmem:s3+$0x1BB60] =	vst v0  }
0x93: {  	[tilespmem:s3+$0x1BB70] =	vst v0;
	_ =	sdelay $0xb  }
0x94: {  	s22 =	spop (v2sf)  }
0x95: {  	s22 =	sshll.u32 s22, $0x1  }
0x96: {  	s3 =	sadd.s32 $0x1BB00, s3;
	s8 =	sand.u32 $0xE, s22;
	s22 =	sand.u32 $0x70, s22  }
0x97: {  	v14 =	vmov s8;
	s8 =	sor.u32 $0x1, s8;
	s22 =	sadd.s32 s22, s3;
	s3 =	smov.u32 s17  }
0x98: {  	vm0 =	veq.s32 v14, v5;
	v14 =	vmov s8  }
0x99: {  	vm1 =	veq.s32 v14, v5  }
0x9a: {  	v14 =	vnsel vm1, $0x0, v18  }
0x9b: {  	v14 =	vsel vm0, v22, v14  }
0x9c: {  	[tilespmem:s22+$0x0] =	vst v14;
	_ =	sdelay $0x1  }
0x9d: {  	v16 =	vld [tilespmem:s3+$0x17330]  }
0x9e: {  	v14 =	vld [tilespmem:s3+$0x14330]  }
0x9f: {  	v19 =	vld [tilespmem:s3+$0x17300]  }
0xa0: {  	v15 =	vld [tilespmem:s3+$0x14300]  }
0xa1: {  	v21 =	vld [tilespmem:s3+$0x17340]  }
0xa2: {  	v18 =	vld [tilespmem:s3+$0x14310]  }
0xa3: {  	v22 =	vld [tilespmem:s3+$0x17310];
	v23 =	vadd.f32 v16, v14  }
0xa4: {  	v24 =	vld [tilespmem:s3+$0x17320]  }
0xa5: {  	v16 =	vld [tilespmem:s3+$0x14340];
	v25 =	vmul.f32 $2.000000030e-01, v23  }
0xa6: {  	v20 =	vld [tilespmem:s3+$0x14320]  }
0xa7: {  	v26 =	vadd.f32 v19, v15;
	v17 =	vld [tilespmem:s3+$0x14350];
	v23 =	vmax.f32 v23, v25  }
0xa8: {  	v22 =	vadd.f32 v22, v18;
	v25 =	vld [tilespmem:s3+$0x17350]  }
0xa9: {  	v27 =	vmul.f32 $2.000000030e-01, v26  }
0xaa: {  	v19 =	vld [tilespmem:s3+$0x14360];
	v28 =	vmul.f32 $2.000000030e-01, v22;
	v29 =	vadd.f32 v21, v16  }
0xab: {  	v21 =	vmax.f32 v26, v27;
	v24 =	vadd.f32 v24, v20  }
0xac: {  	v26 =	vmul.f32 v21, v6;
	v21 =	vmax.f32 v22, v28;
	v22 =	vmul.f32 $2.000000030e-01, v29;
	v27 =	vld [tilespmem:s3+$0x17360]  }
0xad: {  	v28 =	vmul.f32 v21, v7;
	v30 =	vmul.f32 $2.000000030e-01, v24;
	v25 =	vadd.f32 v25, v17;
	v31 =	vld [tilespmem:s3+$0x17370]  }
0xae: {  	v26 =	vadd.f32 $0.0e+00, v26;
	v21 =	vld [tilespmem:s3+$0x14370];
	v22 =	vmax.f32 v29, v22  }
0xaf: {  	v24 =	vmax.f32 v24, v30;
	v22 =	vmul.f32 v22, v10;
	v29 =	vmul.f32 $2.000000030e-01, v25  }
0xb0: {  	v26 =	vadd.f32 v28, v26;
	v24 =	vmul.f32 v24, v8  }
0xb1: {  	v22 =	vadd.f32 $0.0e+00, v22;
	v25 =	vmax.f32 v25, v29;
	v27 =	vadd.f32 v27, v19  }
0xb2: {  	v23 =	vmul.f32 v23, v9;
	v24 =	vadd.f32 v24, v26;
	v25 =	vmul.f32 v25, v11  }
0xb3: {  	v26 =	vmul.f32 $2.000000030e-01, v27;
	v28 =	vadd.f32 v31, v21  }
0xb4: {  	v23 =	vadd.f32 v23, v24;
	v22 =	vadd.f32 v25, v22  }
0xb5: {  	v24 =	vmax.f32 v27, v26;
	v25 =	vmul.f32 $2.000000030e-01, v28  }
0xb6: {  	v24 =	vmul.f32 v24, v12;
	v26 =	vperm.xlane v23, v1  }
0xb7: {  	v25 =	vmax.f32 v28, v25  }
0xb8: {  	v22 =	vadd.f32 v24, v22;
	v24 =	vmul.f32 v25, v13;
	v23 =	vadd.f32 v26, v23;
	_ =	sdelay $0x1  }
0xb9: {  	v22 =	vadd.f32 v24, v22;
	v24 =	vperm.xlane v23, v2;
	_ =	sdelay $0x1  }
0xba: {  	v23 =	vadd.f32 v24, v23;
	v24 =	vperm.xlane v22, v1;
	_ =	sdelay $0x1  }
0xbb: {  	v25 =	vperm.xlane v23, v3;
	v22 =	vadd.f32 v24, v22;
	_ =	sdelay $0x1  }
0xbc: {  	v23 =	vadd.f32 v25, v23;
	v24 =	vperm.xlane v22, v2;
	_ =	sdelay $0x1  }
0xbd: {  	v25 =	vperm.xlane v23, v4;
	v22 =	vadd.f32 v24, v22;
	_ =	sdelay $0x1  }
0xbe: {  	v23 =	vadd.f32 v25, v23;
	v24 =	vperm.xlane v22, v3;
	_ =	sdelay $0x1  }
.Ltmp0:
0xbf: {  	v23 =	vmul.f32 $1.442695020e+00, v23;
	v22 =	vadd.f32 v24, v22;
	(pc) =	sbr.rel @p1 .LBB2_3-.Ltmp0, $3  }
0xc0: {  	_ = 	snop  }
0xc1: {  	v24 =	vperm.xlane v22, v4;
	(erf) = vpow2.f32 v23;
	_ =	sdelay $0x1  }
0xc2: {  	v22 =	vadd.f32 v24, v22  }
0xc3: {  	_ = 	snop  }
0xc4: {  	v22 =	vmul.f32 $1.442695020e+00, v22;
	_ =	sdelay $0x1  }
0xc5: {  	(erf) = vpow2.f32 v22;
	_ =	sdelay $0x3  }
0xc6: {  	v22 =	vpop (erf)  }
0xc7: {  	v18 =	vmul.f32 v22, v18;
	_ =	sdelay $0x1  }
0xc8: {  	v20 =	vmul.f32 v22, v20  }
0xc9: {  	v14 =	vmul.f32 v22, v14;
	[tilespmem:s3+$0x1A310] =	vst v18  }
0xca: {  	v15 =	vmul.f32 v22, v15;
	[tilespmem:s3+$0x1A320] =	vst v20;
	v18 =	vpop (erf)  }
0xcb: {  	[tilespmem:s3+$0x1A330] =	vst v14;
	v14 =	vmul.f32 v18, v16  }
0xcc: {  	[tilespmem:s3+$0x1A300] =	vst v15;
	v15 =	vmul.f32 v18, v19  }
0xcd: {  	v16 =	vmul.f32 v18, v17;
	[tilespmem:s3+$0x1A340] =	vst v14  }
0xce: {  	v14 =	vmul.f32 v18, v21;
	[tilespmem:s3+$0x1A360] =	vst v15  }
0xcf: {  	[tilespmem:s3+$0x1A350] =	vst v16  }
0xd0: {  	[tilespmem:s3+$0x1A370] =	vst v14  }
0xd1: {  	v14 =	vld [tilespmem:s19+$0x0];
	_ =	sdelay $0x4  }
0xd2: {  	(v2sf) =	vpush v14, $0x0;
	_ =	sdelay $0xe  }
0xd3: {  	[tilespmem:s3+$0x1BB00] =	vst v0;
	s8 =	spop (v2sf)  }
0xd4: {  	[tilespmem:s3+$0x1BB10] =	vst v0;
	s8 =	sshll.u32 s8, $0x1  }
0xd5: {  	[tilespmem:s3+$0x1BB20] =	vst v0;
	s10 =	sand.u32 $0xE, s8  }
0xd6: {  	[tilespmem:s3+$0x1BB30] =	vst v0;
	s17 =	sor.u32 $0x1, s10  }
0xd7: {  	[tilespmem:s3+$0x1BB40] =	vst v0;
	v14 =	vmov s17  }
0xd8: {  	[tilespmem:s3+$0x1BB50] =	vst v0;
	v15 =	vmov s10;
	vm0 =	veq.s32 v14, v5  }
0xd9: {  	s22 =	sadd.s32 $0x1BB00, s3;
	[tilespmem:s3+$0x1BB60] =	vst v0;
	s8 =	sand.u32 $0x70, s8;
	vm1 =	veq.s32 v15, v5;
	v14 =	vnsel vm0, $0x0, v18  }
0xda: {  	[tilespmem:s3+$0x1BB70] =	vst v0;
	s17 =	sadd.s32 s8, s22;
	v14 =	vsel vm1, v22, v14  }
0xdb: {  	[tilespmem:s17+$0x0] =	vst v14  }
0xdc: {  	v14 =	vld [tilespmem:$0x14200]  }
0xdd: {  	v15 =	vld [tilespmem:$0x14210]  }
0xde: {  	v16 =	vld [tilespmem:$0x14220];
	_ =	sdelay $0x2  }
0xdf: {  	v14 =	vshra.s32 v14, $0x6  }
0xe0: {  	[tilespmem:$0x1D300] =	vst v14;
	v14 =	vshra.s32 v15, $0x6  }
0xe1: {  	[tilespmem:$0x1D310] =	vst v14;
	v14 =	vshra.s32 v16, $0x6  }
0xe2: {  	[tilespmem:$0x1D320] =	vst v14  }
0xe3: {  	[spmem:s1] =	stream.indirect.scatter.add.f32 [tilespmem:s11], [sflag:$0x5], $0x80, s24, s25, $0xb8;
	[tilespmem:$0x1D400] =	vst v63  }
0xe4: {  	_ =	swait.ge [sflag:s20], $0x1800  }
0xe5: {  	[sflag:s20] =	ssyncset.done $0x0  }
0xe6: {  	[sflag:s20] =	ssyncadd.s32 $0xFFFFE800  }
0xe7: {  	[spmem:s2] =	stream.indirect.scatter.add.f32 [tilespmem:s13], [sflag:$0x5], $0x80, s12, s25, $0xb8;
	[tilespmem:$0x1D400] =	vst v63  }
0xe8: {  	_ =	swait.ge [sflag:s20], $0x1800  }
0xe9: {  	[sflag:s20] =	ssyncset.done $0x0  }
0xea: {  	s19 =	sshll.u32 s18, $0x1;
	[sflag:s20] =	ssyncadd.s32 $0xFFFFE800  }
0xeb: {  	s3 =	smin.u32 s19, $0xD5;
	_ =	swait.ge [sflag:s9], $0x1800  }
0xec: {  	s3 =	smul.u32 $0x30, s3;
	[sflag:s9] =	ssyncset.done $0x0  }
0xed: {  	[sflag:s9] =	ssyncadd.s32 $0xFFFFE800  }
0xee: {  	s3 =	sadd.s32 s3, s15;
	_ =	swait.ge [sflag:s16], $0x1800  }
0xef: {  	s3 =	sshrl.u32 s3, $0x3;
	[sflag:s16] =	ssyncset.done $0x0  }
0xf0: {  	s21 =	sadd.s32 s6, s3;
	s22 =	simm.s32 $0x0;
	[sflag:s16] =	ssyncadd.s32 $0xFFFFE800  }
0xf1: {  	[tilespmem:s23], [sflag:$0x5] =	stream.linear.gather [hbm4b:s21+s22], $0x30, $0x38;
	[tilespmem:$0x1D400] =	vst v63  }
0xf2: {  	_ =	swait.ge [sflag:s20], $0x30  }
0xf3: {  	[sflag:s20] =	ssyncset.done $0x0  }
0xf4: {  	s3 =	sadd.s32 s7, s3;
	[sflag:s20] =	ssyncadd.s32 $0xFFFFFFD0  }
0xf5: {  	[tilespmem:s24], [sflag:$0x5] =	stream.linear.gather [hbm4b:s3+s22], $0x30, $0x38;
	[tilespmem:$0x1D400] =	vst v63  }
0xf6: {  	_ =	swait.ge [sflag:s20], $0x30  }
0xf7: {  	[sflag:s20] =	ssyncset.done $0x0  }
0xf8: {  	[sflag:s20] =	ssyncadd.s32 $0xFFFFFFD0  }
0xf9: {  	[tilespmem:s26], [sflag:$0x1] =	stream.indirect.gather [hbm4b:s4+s25], $0x80, s23, s25, $0xb8;
	[tilespmem:$0x1D400] =	vst v63  }
0xfa: {  	s3 =	simm.s32 $0x0  }
0xfb: {  	[tilespmem:s28], [sflag:$0x3] =	stream.indirect.gather [hbm4b:s5+s25], $0x80, s24, s25, $0xb8;
	[tilespmem:$0x1D400] =	vst v63  }
0xfc: {  	v19 =	vld [tilespmem:s3+$0x18B30]  }
0xfd: {  	v14 =	vld [tilespmem:s3+$0x15B30]  }
0xfe: {  	v21 =	vld [tilespmem:s3+$0x18B00]  }
0xff: {  	v15 =	vld [tilespmem:s3+$0x15B00]  }
0x100: {  	v22 =	vld [tilespmem:s3+$0x18B40]  }
0x101: {  	v18 =	vld [tilespmem:s3+$0x15B10]  }
0x102: {  	v23 =	vld [tilespmem:s3+$0x18B10]  }
0x103: {  	v16 =	vld [tilespmem:s3+$0x15B40]  }
0x104: {  	v24 =	vld [tilespmem:s3+$0x18B20]  }
0x105: {  	v20 =	vld [tilespmem:s3+$0x15B20]  }
0x106: {  	v17 =	vld [tilespmem:s3+$0x15B50]  }
0x107: {  	v26 =	vld [tilespmem:s3+$0x18B50];
	v21 =	vadd.f32 v21, v15;
	_ =	sdelay $0x1  }
0x108: {  	v23 =	vadd.f32 v23, v18;
	v27 =	vmul.f32 $2.000000030e-01, v21  }
0x109: {  	v30 =	vld [tilespmem:s3+$0x18B60];
	v25 =	vadd.f32 v19, v14;
	v22 =	vadd.f32 v22, v16  }
0x10a: {  	v19 =	vld [tilespmem:s3+$0x15B60];
	v24 =	vadd.f32 v24, v20;
	v29 =	vmul.f32 $2.000000030e-01, v23;
	v21 =	vmax.f32 v21, v27  }
0x10b: {  	v31 =	vld [tilespmem:s3+$0x18B70];
	v26 =	vadd.f32 v26, v17;
	v28 =	vmul.f32 $2.000000030e-01, v25;
	v46 =	vmul.f32 v21, v6  }
0x10c: {  	v45 =	vmul.f32 $2.000000030e-01, v22;
	v47 =	vmul.f32 $2.000000030e-01, v24;
	v23 =	vmax.f32 v23, v29;
	v21 =	vld [tilespmem:s3+$0x15B70]  }
0x10d: {  	v49 =	vmul.f32 $2.000000030e-01, v26;
	v23 =	vmul.f32 v23, v7;
	v48 =	vadd.f32 $0.0e+00, v46  }
0x10e: {  	v25 =	vmax.f32 v25, v28;
	v22 =	vmax.f32 v22, v45;
	v24 =	vmax.f32 v24, v47  }
0x10f: {  	v50 =	vadd.f32 v30, v19;
	v24 =	vmul.f32 v24, v8;
	v23 =	vadd.f32 v23, v48  }
0x110: {  	v26 =	vmax.f32 v26, v49;
	v22 =	vmul.f32 v22, v10;
	v53 =	vmul.f32 v25, v9  }
0x111: {  	v51 =	vmul.f32 $2.000000030e-01, v50;
	v52 =	vadd.f32 v31, v21;
	v23 =	vadd.f32 v24, v23  }
0x112: {  	v54 =	vmul.f32 v26, v11;
	v22 =	vadd.f32 $0.0e+00, v22  }
0x113: {  	v55 =	vmax.f32 v50, v51;
	v56 =	vmul.f32 $2.000000030e-01, v52;
	v23 =	vadd.f32 v53, v23  }
0x114: {  	v22 =	vadd.f32 v54, v22;
	v57 =	vmul.f32 v55, v12  }
0x115: {  	v58 =	vmax.f32 v52, v56;
	v59 =	vperm.xlane v23, v1  }
0x116: {  	v22 =	vadd.f32 v57, v22;
	v60 =	vmul.f32 v58, v13  }
0x117: {  	v23 =	vadd.f32 v59, v23  }
0x118: {  	v22 =	vadd.f32 v60, v22  }
0x119: {  	v61 =	vperm.xlane v23, v2  }
0x11a: {  	v62 =	vperm.xlane v22, v1  }
0x11b: {  	v23 =	vadd.f32 v61, v23  }
0x11c: {  	v22 =	vadd.f32 v62, v22  }
0x11d: {  	v24 =	vperm.xlane v23, v3  }
0x11e: {  	v25 =	vperm.xlane v22, v2  }
0x11f: {  	v23 =	vadd.f32 v24, v23  }
0x120: {  	v22 =	vadd.f32 v25, v22  }
0x121: {  	v24 =	vperm.xlane v23, v4  }
0x122: {  	v25 =	vperm.xlane v22, v3  }
0x123: {  	v23 =	vadd.f32 v24, v23  }
0x124: {  	v22 =	vadd.f32 v25, v22  }
0x125: {  	v23 =	vmul.f32 $1.442695020e+00, v23  }
0x126: {  	v63 =	vperm.xlane v22, v4  }
0x127: {  	(erf) = vpow2.f32 v23  }
0x128: {  	s19 =	simm.s32 $0x14280;
	s10 =	simm.s32 $0x200;
	s21 =	simm.s32 $0x14280;
	v22 =	vadd.f32 v63, v22  }
.LBB2_5:
0x129: {  	p1 =	sne.s32 s10, $0x5E00  }
0x12a: {  	s21 =	sadd.s32 $0x1, s21;
	s8 =	smov.u32 s10;
	s10 =	sadd.s32 $0x200, s10  }
0x12b: {  	v22 =	vmul.f32 $1.442695020e+00, v22;
	_ =	sdelay $0x1  }
0x12c: {  	(erf) = vpow2.f32 v22;
	_ =	sdelay $0x2  }
0x12d: {  	v22 =	vpop (erf)  }
0x12e: {  	v18 =	vmul.f32 v22, v18;
	v14 =	vmul.f32 v22, v14  }
0x12f: {  	v15 =	vmul.f32 v22, v15;
	_ =	sdelay $0x1  }
0x130: {  	v20 =	vmul.f32 v22, v20  }
0x131: {  	[tilespmem:s3+$0x1A310] =	vst v18  }
0x132: {  	[tilespmem:s3+$0x1A320] =	vst v20;
	v18 =	vpop (erf)  }
0x133: {  	[tilespmem:s3+$0x1A330] =	vst v14;
	v14 =	vmul.f32 v18, v16;
	v16 =	vmul.f32 v18, v17  }
0x134: {  	v17 =	vmul.f32 v18, v21;
	[tilespmem:s3+$0x1A300] =	vst v15;
	v15 =	vmul.f32 v18, v19  }
0x135: {  	s8 =	sshra.s32 s8, $0x2;
	[tilespmem:s3+$0x1A340] =	vst v14  }
0x136: {  	[tilespmem:s3+$0x1A360] =	vst v15  }
0x137: {  	[tilespmem:s3+$0x1A350] =	vst v16  }
0x138: {  	[tilespmem:s3+$0x1A370] =	vst v17  }
0x139: {  	v14 =	vld [tilespmem:s19+$0x0];
	s19 =	smov.u32 s21  }
0x13a: {  	[tilespmem:s3+$0x1BB00] =	vst v0  }
0x13b: {  	[tilespmem:s3+$0x1BB10] =	vst v0  }
0x13c: {  	[tilespmem:s3+$0x1BB20] =	vst v0  }
0x13d: {  	[tilespmem:s3+$0x1BB30] =	vst v0  }
0x13e: {  	[tilespmem:s3+$0x1BB40] =	vst v0;
	(v2sf) =	vpush v14, $0x0  }
0x13f: {  	[tilespmem:s3+$0x1BB50] =	vst v0  }
0x140: {  	[tilespmem:s3+$0x1BB60] =	vst v0  }
0x141: {  	[tilespmem:s3+$0x1BB70] =	vst v0;
	_ =	sdelay $0xb  }
0x142: {  	s17 =	spop (v2sf)  }
0x143: {  	s17 =	sshll.u32 s17, $0x1  }
0x144: {  	s3 =	sadd.s32 $0x1BB00, s3;
	s22 =	sand.u32 $0xE, s17;
	s17 =	sand.u32 $0x70, s17  }
0x145: {  	v14 =	vmov s22;
	s22 =	sor.u32 $0x1, s22;
	s17 =	sadd.s32 s17, s3;
	s3 =	smov.u32 s8  }
0x146: {  	vm0 =	veq.s32 v14, v5;
	v14 =	vmov s22  }
0x147: {  	vm1 =	veq.s32 v14, v5  }
0x148: {  	v14 =	vnsel vm1, $0x0, v18  }
0x149: {  	v14 =	vsel vm0, v22, v14  }
0x14a: {  	[tilespmem:s17+$0x0] =	vst v14;
	_ =	sdelay $0x1  }
0x14b: {  	v16 =	vld [tilespmem:s3+$0x18B30]  }
0x14c: {  	v14 =	vld [tilespmem:s3+$0x15B30]  }
0x14d: {  	v19 =	vld [tilespmem:s3+$0x18B00]  }
0x14e: {  	v15 =	vld [tilespmem:s3+$0x15B00]  }
0x14f: {  	v21 =	vld [tilespmem:s3+$0x18B40]  }
0x150: {  	v18 =	vld [tilespmem:s3+$0x15B10]  }
0x151: {  	v22 =	vld [tilespmem:s3+$0x18B10];
	v23 =	vadd.f32 v16, v14  }
0x152: {  	v24 =	vld [tilespmem:s3+$0x18B20]  }
0x153: {  	v16 =	vld [tilespmem:s3+$0x15B40];
	v25 =	vmul.f32 $2.000000030e-01, v23  }
0x154: {  	v20 =	vld [tilespmem:s3+$0x15B20]  }
0x155: {  	v26 =	vadd.f32 v19, v15;
	v17 =	vld [tilespmem:s3+$0x15B50];
	v23 =	vmax.f32 v23, v25  }
0x156: {  	v22 =	vadd.f32 v22, v18;
	v25 =	vld [tilespmem:s3+$0x18B50]  }
0x157: {  	v27 =	vmul.f32 $2.000000030e-01, v26  }
0x158: {  	v19 =	vld [tilespmem:s3+$0x15B60];
	v28 =	vmul.f32 $2.000000030e-01, v22;
	v29 =	vadd.f32 v21, v16  }
0x159: {  	v21 =	vmax.f32 v26, v27;
	v24 =	vadd.f32 v24, v20  }
0x15a: {  	v26 =	vmul.f32 v21, v6;
	v21 =	vmax.f32 v22, v28;
	v22 =	vmul.f32 $2.000000030e-01, v29;
	v27 =	vld [tilespmem:s3+$0x18B60]  }
0x15b: {  	v28 =	vmul.f32 v21, v7;
	v30 =	vmul.f32 $2.000000030e-01, v24;
	v25 =	vadd.f32 v25, v17;
	v31 =	vld [tilespmem:s3+$0x18B70]  }
0x15c: {  	v26 =	vadd.f32 $0.0e+00, v26;
	v21 =	vld [tilespmem:s3+$0x15B70];
	v22 =	vmax.f32 v29, v22  }
0x15d: {  	v24 =	vmax.f32 v24, v30;
	v22 =	vmul.f32 v22, v10;
	v29 =	vmul.f32 $2.000000030e-01, v25  }
0x15e: {  	v26 =	vadd.f32 v28, v26;
	v24 =	vmul.f32 v24, v8  }
0x15f: {  	v22 =	vadd.f32 $0.0e+00, v22;
	v25 =	vmax.f32 v25, v29;
	v27 =	vadd.f32 v27, v19  }
0x160: {  	v23 =	vmul.f32 v23, v9;
	v24 =	vadd.f32 v24, v26;
	v25 =	vmul.f32 v25, v11  }
0x161: {  	v26 =	vmul.f32 $2.000000030e-01, v27;
	v28 =	vadd.f32 v31, v21  }
0x162: {  	v23 =	vadd.f32 v23, v24;
	v22 =	vadd.f32 v25, v22  }
0x163: {  	v24 =	vmax.f32 v27, v26;
	v25 =	vmul.f32 $2.000000030e-01, v28  }
0x164: {  	v24 =	vmul.f32 v24, v12;
	v26 =	vperm.xlane v23, v1  }
0x165: {  	v25 =	vmax.f32 v28, v25  }
0x166: {  	v22 =	vadd.f32 v24, v22;
	v24 =	vmul.f32 v25, v13;
	v23 =	vadd.f32 v26, v23;
	_ =	sdelay $0x1  }
0x167: {  	v22 =	vadd.f32 v24, v22;
	v24 =	vperm.xlane v23, v2;
	_ =	sdelay $0x1  }
0x168: {  	v23 =	vadd.f32 v24, v23;
	v24 =	vperm.xlane v22, v1;
	_ =	sdelay $0x1  }
0x169: {  	v25 =	vperm.xlane v23, v3;
	v22 =	vadd.f32 v24, v22;
	_ =	sdelay $0x1  }
0x16a: {  	v23 =	vadd.f32 v25, v23;
	v24 =	vperm.xlane v22, v2;
	_ =	sdelay $0x1  }
0x16b: {  	v25 =	vperm.xlane v23, v4;
	v22 =	vadd.f32 v24, v22;
	_ =	sdelay $0x1  }
0x16c: {  	v23 =	vadd.f32 v25, v23;
	v24 =	vperm.xlane v22, v3;
	_ =	sdelay $0x1  }
.Ltmp1:
0x16d: {  	v23 =	vmul.f32 $1.442695020e+00, v23;
	v22 =	vadd.f32 v24, v22;
	(pc) =	sbr.rel @p1 .LBB2_5-.Ltmp1, $3  }
0x16e: {  	_ = 	snop  }
0x16f: {  	v24 =	vperm.xlane v22, v4;
	(erf) = vpow2.f32 v23;
	_ =	sdelay $0x1  }
0x170: {  	v22 =	vadd.f32 v24, v22  }
0x171: {  	_ = 	snop  }
0x172: {  	v22 =	vmul.f32 $1.442695020e+00, v22;
	_ =	sdelay $0x1  }
0x173: {  	(erf) = vpow2.f32 v22;
	_ =	sdelay $0x4  }
0x174: {  	v61 =	vpop (erf)  }
0x175: {  	v18 =	vmul.f32 v61, v18  }
0x176: {  	v20 =	vmul.f32 v61, v20  }
0x177: {  	v14 =	vmul.f32 v61, v14;
	[tilespmem:s3+$0x1A310] =	vst v18  }
0x178: {  	v15 =	vmul.f32 v61, v15;
	[tilespmem:s3+$0x1A320] =	vst v20;
	v62 =	vpop (erf)  }
0x179: {  	[tilespmem:s3+$0x1A330] =	vst v14;
	v14 =	vmul.f32 v62, v16  }
0x17a: {  	[tilespmem:s3+$0x1A300] =	vst v15;
	v15 =	vmul.f32 v62, v19  }
0x17b: {  	v63 =	vmul.f32 v62, v17;
	[tilespmem:s3+$0x1A340] =	vst v14  }
0x17c: {  	v14 =	vmul.f32 v62, v21;
	[tilespmem:s3+$0x1A360] =	vst v15  }
0x17d: {  	[tilespmem:s3+$0x1A350] =	vst v63  }
0x17e: {  	[tilespmem:s3+$0x1A370] =	vst v14  }
0x17f: {  	v14 =	vld [tilespmem:s19+$0x0];
	_ =	sdelay $0x4  }
0x180: {  	(v2sf) =	vpush v14, $0x0;
	_ =	sdelay $0xe  }
0x181: {  	[tilespmem:s3+$0x1BB00] =	vst v0;
	s8 =	spop (v2sf)  }
0x182: {  	[tilespmem:s3+$0x1BB10] =	vst v0;
	s8 =	sshll.u32 s8, $0x1  }
0x183: {  	[tilespmem:s3+$0x1BB20] =	vst v0;
	s10 =	sand.u32 $0xE, s8  }
0x184: {  	[tilespmem:s3+$0x1BB30] =	vst v0;
	s17 =	sor.u32 $0x1, s10  }
0x185: {  	[tilespmem:s3+$0x1BB40] =	vst v0;
	v14 =	vmov s17  }
0x186: {  	[tilespmem:s3+$0x1BB50] =	vst v0;
	v15 =	vmov s10;
	vm0 =	veq.s32 v14, v5  }
0x187: {  	s21 =	sadd.s32 $0x1BB00, s3;
	[tilespmem:s3+$0x1BB60] =	vst v0;
	s8 =	sand.u32 $0x70, s8;
	vm1 =	veq.s32 v15, v5;
	v14 =	vnsel vm0, $0x0, v62  }
0x188: {  	[tilespmem:s3+$0x1BB70] =	vst v0;
	s22 =	sadd.s32 s8, s21;
	v14 =	vsel vm1, v61, v14  }
0x189: {  	[tilespmem:s22+$0x0] =	vst v14  }
0x18a: {  	v14 =	vld [tilespmem:$0x14280]  }
0x18b: {  	v15 =	vld [tilespmem:$0x14290]  }
0x18c: {  	v16 =	vld [tilespmem:$0x142A0];
	_ =	sdelay $0x2  }
0x18d: {  	v14 =	vshra.s32 v14, $0x6  }
0x18e: {  	[tilespmem:$0x1D300] =	vst v14;
	v14 =	vshra.s32 v15, $0x6  }
0x18f: {  	[tilespmem:$0x1D310] =	vst v14;
	v14 =	vshra.s32 v16, $0x6  }
0x190: {  	[tilespmem:$0x1D320] =	vst v14  }
0x191: {  	[spmem:s1] =	stream.indirect.scatter.add.f32 [tilespmem:s11], [sflag:$0x5], $0x80, s0, s25, $0xb8;
	[tilespmem:$0x1D400] =	vst v63  }
0x192: {  	s18 =	sadd.s32 $0x1, s18;
	_ =	swait.ge [sflag:s20], $0x1800  }
0x193: {  	p1 =	sne.s32 s18, $0x6C;
	[sflag:s20] =	ssyncset.done $0x0  }
.Ltmp2:
0x194: {  	[sflag:s20] =	ssyncadd.s32 $0xFFFFE800;
	(pc) =	sbr.rel @p1 .LBB2_2-.Ltmp2, $4  }
0x195: {  	[spmem:s2] =	stream.indirect.scatter.add.f32 [tilespmem:s13], [sflag:$0x5], $0x80, s12, s25, $0xb8;
	[tilespmem:$0x1D400] =	vst v63  }
0x196: {  	_ =	swait.ge [sflag:s20], $0x1800  }
0x197: {  	[sflag:s20] =	ssyncset.done $0x0  }
0x198: {  	[sflag:s20] =	ssyncadd.s32 $0xFFFFE800  }
0x199: {  	_ =	swait.ge [sflag:s29], $0x1800  }
0x19a: {  	[sflag:s29] =	ssyncset.done $0x0  }
0x19b: {  	[sflag:s29] =	ssyncadd.s32 $0xFFFFE800  }
0x19c: {  	_ =	swait.ge [sflag:s30], $0x1800  }
0x19d: {  	[sflag:s30] =	ssyncset.done $0x0  }
0x19e: {  	[sflag:s30] =	ssyncadd.s32 $0xFFFFE800  }
0x19f: {  	[bflag:$0x0] =	sbarrier.arrive $0xFFFF  }
0x1a0: {  	s17 =	rddreg [dreg:$0x7]  }
0x1a1: {  	s3 =	rddreg [dreg:$0xc]  }
0x1a2: {  	s10 =	rddreg [dreg:$0xf]  }
0x1a3: {  	[hbm:s3], [sflag:s17] =	dma.local @!p0 [spmem:s10], $0xA00  }
0x1a4: {  	s3 =	simm.s32 @!p0 $0x5  }
0x1a5: {  	_ =	swait.ge @!p0 [sflag:s3], $0xA00  }
0x1a6: {  	[sflag:s3] =	ssyncset.done @!p0 $0x0;
	s21 =	rddreg [dreg:$0xb]  }
0x1a7: {  	s8 =	rddreg [dreg:$0xe];
	[sflag:s3] =	ssyncadd.s32 @!p0 $0xFFFFF600  }
0x1a8: {  	[hbm:s21], [sflag:s17] =	dma.local [spmem:s8], $0x2780  }
0x1a9: {  	_ =	swait.ge [sflag:s20], $0x2780  }
0x1aa: {  	s18 =	rddreg [dreg:$0x10]  }
0x1ab: {  	s22 =	rddreg [dreg:$0xd];
	s18 =	sadd.s32 $0x1, s18  }
0x1ac: {  	p1 =	sne.s32 s18, s22  }
.Ltmp3:
0x1ad: {  	_ = 	snop;
	(pc) =	sbr.rel @p1 .LBB2_1-.Ltmp3, $3  }
0x1ae: {  	_ =	sdelay $0x1  }
0x1af: {  	[sflag:s20] =	ssyncset.done $0x0  }
0x1b0: {  	[sflag:s20] =	ssyncadd.s32 $0xFFFFD880  }
0x1b1: {  	_ =	sfence.sel $0x180000  }
0x1b2: {  	[bflag:$0x0] =	sbarrier.arrive $0xFFFF  }
0x1b3: {  	_ =	strace $0x90000047  }
0x1b4: {  	[bflag:$0x2] =	sbarrier.arrive $0xFFFF  }
0x1b5: {  	s0 =	rddreg [dreg:$0x4]  }
0x1b6: {  	s0 =	sadd.s32 @!p0 $0x100000, s0  }
0x1b7: {  	[sflag:s0] =	ssyncadd.tile.s32 @!p0 $0x1;
	_ =	shalt  }
.Lfunc_end2:
_tile_overlayer_lowered:
.L_overlay_start_2:
0x1b8: {  	(tag) =	ssettag $0x2  }
0x1b9: {  	s0 =	rddreg [dreg:$0x0];
	s2 =	stileid.u32  }
0x1ba: {  	s1 =	rddreg [dreg:$0x1];
	p0 =	sne.s32 s2, $0x0  }
0x1bb: {  	s3 =	rddreg [dreg:$0x2];
	[bflag:$0x3] =	sbarrier.arrive $0xFFFF;
	s2 =	simm.s32 @!p0 $0x1C05  }
0x1bc: {  	[timem:s3], [sflag:s2] =	dma.local @!p0 [hbm:s0], s1  }
0x1bd: {  	s0 =	simm.s32 @!p0 $0x5  }
0x1be: {  	_ =	swait.ge @!p0 [sflag:s0], s1  }
0x1bf: {  	s1 =	ssub.s32 @!p0 $0x0, s1;
	[sflag:s0] =	ssyncset.done @!p0 $0x0  }
0x1c0: {  	[sflag:s0] =	ssyncadd.s32 @!p0 s1  }
0x1c1: {  	[bflag:$0x3] =	sbarrier.arrive $0xFFFF  }
0x1c2: {  	_ =	shalt  }

</sc_bundles>
